<compile_context>
chip_gen: v7x
topology: tpu7x:2x2x1
jax: 0.10.2.dev20260603
libtpu: 0.0.44.dev20260713+nightly
codegen_flags: <defaults>
</compile_context>

<pallas_src>
import functools

import jax
import jax.numpy as jnp
from jax import lax
from jax.experimental import pallas as pl
from jax.experimental.pallas import tpu as pltpu
from jax.experimental.pallas import tpu_sc as plsc

N = 10000
D = 128
KN = 3
NPAD = 10240
RB = 512
NRB = NPAD // RB
CT = 1024
NCT = NPAD // CT
NEG = float("-inf")
BIGI = 2**30


def _top3_of(v, ids, pad_id):
    vals, outs = [], []
    for t in range(3):
        m = jnp.max(v, axis=1, keepdims=True)
        am = jnp.min(jnp.where(v == m, ids, pad_id), axis=1, keepdims=True)
        vals.append(m)
        outs.append(am)
        if t < 2:
            v = jnp.where(ids == am, NEG, v)
    return vals, outs


def _topk_body(feats_full_ref, rows_ref, idx_ref, xn_ref):
    r = pl.program_id(0)

    @pl.when(r == 0)
    def _():
        for c in range(NRB):
            x = feats_full_ref[pl.ds(c * RB, RB), :]
            n2 = jnp.sum(x * x, axis=1, keepdims=True)
            xn_ref[pl.ds(c * RB, RB), :] = x / jnp.maximum(jnp.sqrt(n2), 1e-12)

    x = rows_ref[...]
    n2 = jnp.sum(x * x, axis=1, keepdims=True)
    rows = x / jnp.maximum(jnp.sqrt(n2), 1e-12)

    lid = lax.broadcasted_iota(jnp.int32, (RB, CT), 1)
    run_v, run_i = None, None

    for j in range(NCT):
        cols = xn_ref[pl.ds(j * CT, CT), :]
        s = lax.dot_general(rows, cols, (((1,), (1,)), ((), ())),
                            preferred_element_type=jnp.float32)
        if (j + 1) * CT > N:
            s = jnp.where(lid < N - j * CT, s, NEG)
        tv, ti = _top3_of(s, lid, BIGI)
        ti = [t + j * CT for t in ti]
        if j == 0:
            run_v, run_i = tv, ti
            continue
        pad = jnp.full((RB, 1), NEG, dtype=jnp.float32)
        padi = jnp.full((RB, 1), BIGI, dtype=jnp.int32)
        cv = jnp.concatenate(run_v + tv + [pad, pad], axis=1)
        ci = jnp.concatenate(run_i + ti + [padi, padi], axis=1)
        run_v, run_i = _top3_of(cv, ci, BIGI)

    padi = jnp.full((RB, 1), 0, dtype=jnp.int32)
    idx_ref[...] = jnp.concatenate(run_i + [padi] * 5, axis=1)


def _run_topk(feats_pad):
    return pl.pallas_call(
        _topk_body,
        grid=(NRB,),
        in_specs=[
            pl.BlockSpec((NPAD, D), lambda r: (0, 0)),
            pl.BlockSpec((RB, D), lambda r: (r, 0)),
        ],
        out_specs=pl.BlockSpec((RB, 8), lambda r: (r, 0)),
        out_shape=jax.ShapeDtypeStruct((NPAD, 8), jnp.int32),
        scratch_shapes=[
            pltpu.VMEM((NPAD, D), jnp.float32),
        ],
    )(feats_pad, feats_pad)


def _make_gather_pool():
    info = plsc.get_sparse_core_info()
    nw = info.num_cores * info.num_subcores
    bpw = NPAD // nw
    mesh = plsc.VectorSubcoreMesh(core_axis_name="c", subcore_axis_name="s")
    L = 16

    @functools.partial(
        pl.kernel,
        mesh=mesh,
        out_type=jax.ShapeDtypeStruct((NPAD, D), jnp.float32),
        scratch_types=[
            pltpu.VMEM((bpw,), jnp.int32),
            pltpu.VMEM((bpw,), jnp.int32),
            pltpu.VMEM((bpw,), jnp.int32),
            pltpu.VMEM((bpw, D), jnp.float32),
            pltpu.VMEM((bpw, D), jnp.float32),
            pltpu.VMEM((bpw, D), jnp.float32),
            pltpu.VMEM((4, L), jnp.float32),
            pltpu.SemaphoreType.DMA,
            pltpu.SemaphoreType.DMA,
        ],
    )
    def gather_pool(table_hbm, i0_hbm, i1_hbm, i2_hbm, cwb_hbm, out_hbm,
                    x0_v, x1_v, x2_v, r0_v, r1_v, r2_v, cw_v, isem, gsem):
        wid = lax.axis_index("s") * info.num_cores + lax.axis_index("c")
        base = wid * bpw
        pltpu.sync_copy(cwb_hbm, cw_v)
        for idx_hbm, idx_v in ((i0_hbm, x0_v), (i1_hbm, x1_v), (i2_hbm, x2_v)):
            pltpu.async_copy(idx_hbm.at[pl.ds(base, bpw)], idx_v, isem).wait()
        copies = []
        for idx_v, rows_v in ((x0_v, r0_v), (x1_v, r1_v), (x2_v, r2_v)):
            copies.append(
                pltpu.async_copy(table_hbm.at[idx_v], rows_v, gsem))
        for c in copies:
            c.wait()
        w0 = cw_v[0, :]
        w1 = cw_v[1, :]
        w2 = cw_v[2, :]
        bb = cw_v[3, :]
        def body(i, carry):
            for c in range(D // L):
                sl = pl.ds(c * L, L)
                acc = (r0_v[i, sl] * w0 + r1_v[i, sl] * w1
                       + r2_v[i, sl] * w2 + bb)
                r0_v[i, sl] = acc
            return carry
        lax.fori_loop(0, bpw, body, 0)
        pltpu.sync_copy(r0_v, out_hbm.at[pl.ds(base, bpw)])

    return gather_pool


def _fc_body(g_ref, w_ref, out_ref):
    acc = lax.dot_general(g_ref[...], w_ref[...], (((1,), (1,)), ((), ())),
                          preferred_element_type=jnp.float32)
    out_ref[...] = jnp.maximum(acc, 0.0)


def _run_fc(pooled, w_fc):
    return pl.pallas_call(
        _fc_body,
        grid=(NRB,),
        in_specs=[
            pl.BlockSpec((RB, D), lambda r: (r, 0)),
            pl.BlockSpec((D, D), lambda r: (0, 0)),
        ],
        out_specs=pl.BlockSpec((RB, D), lambda r: (r, 0)),
        out_shape=jax.ShapeDtypeStruct((NPAD, D), jnp.float32),
    )(pooled, w_fc)


def kernel(feats, edge_dict, W_fc, conv_w, conv_b):
    del edge_dict
    f2 = feats[0]
    fpad = jnp.pad(f2, ((0, NPAD - N), (0, 0)))

    idx8 = _run_topk(fpad)
    i0 = idx8[:, 0]
    i1 = idx8[:, 1]
    i2 = idx8[:, 2]

    cwb = jnp.broadcast_to(
        jnp.concatenate([conv_w, conv_b])[:, None], (KN + 1, 16))
    pooled = _make_gather_pool()(f2, i0, i1, i2, cwb)

    out = _run_fc(pooled, W_fc)
    return out[:N][None]

# --- scband reference (transcript-rebuilt; emitter-appended) ---
"""Pipeline reference for scband-nearest-convolution-40862318854437 (READ-ONLY COPY).

The authoritative reference and input builder live on the scoring server;
editing this copy changes nothing except your own understanding.
"""

import jax, jax.numpy as jnp
import numpy as np

B, N, D, KN = 1, 10000, 128, 3

def setup_inputs(seed: int = 0) -> dict:
    key = jax.random.key(seed)
    k1, k2, k3 = jax.random.split(key, 3)
    feats = jax.random.normal(k1, (B, N, D), dtype=jnp.float32)
    edge_dict = jnp.zeros((1,), dtype=jnp.int64)  # unused by forward
    # nn.Linear(dim_in, dim_out, bias=False) weight: (dim_out, dim_in)
    W_fc = jax.random.normal(k2, (D, D), dtype=jnp.float32) * (1.0 / np.sqrt(D))
    # ConvMapping assumed as Conv1d(kn, 1, kernel_size=1): weighted sum over kn neighbors
    conv_w = jax.random.normal(k3, (KN,), dtype=jnp.float32) * (1.0 / np.sqrt(KN))
    conv_b = jnp.zeros((1,), dtype=jnp.float32)
    return {"feats": feats, "edge_dict": edge_dict, "W_fc": W_fc, "conv_w": conv_w, "conv_b": conv_b}

def reference(feats, edge_dict, W_fc, conv_w, conv_b):
    kn = KN
    # cos_dis: L2-normalize along feature dim (eps=1e-12 like F.normalize), then bmm
    norm = jnp.sqrt(jnp.sum(feats * feats, axis=2, keepdims=True))
    Xn = feats / jnp.maximum(norm, 1e-12)
    dis = jnp.matmul(Xn, jnp.swapaxes(Xn, 1, 2))  # (b, N, N)
    _, idx = jax.lax.top_k(dis, kn)               # (b, N, kn)
    # k-nearest gather: k_nearest[b, n, k, :] = feats[b, idx[b, n, k], :]
    k_nearest = jax.vmap(lambda f, i: f[i])(feats, idx)  # (b, N, kn, d)
    # ConvMapping (Conv1d(kn,1,1)): weighted sum over neighbor axis + bias
    pooled = jnp.einsum('bnkd,k->bnd', k_nearest, conv_w) + conv_b[0]
    # dropout is identity in eval mode; fc (no bias) then ReLU
    out = jax.nn.relu(jnp.matmul(pooled, W_fc.T))
    return out

if __name__ == "__main__":
    import jax
    _d = setup_inputs()
    print(jax.jit(kernel)(*tuple(_d.values())))

</pallas_src>

<mosaic_0001>
#map = affine_map<(d0, d1) -> (0, 0)>
#map1 = affine_map<(d0, d1) -> (0)>
module attributes {stable_mosaic.version = 14 : i64} {
  func.func @gather_pool(%arg0: i32, %arg1: i32, %arg2: memref<10000x128xf32, #tpu.memory_space<hbm>>, %arg3: memref<10240xi32, #tpu.memory_space<hbm>>, %arg4: memref<10240xi32, #tpu.memory_space<hbm>>, %arg5: memref<10240xi32, #tpu.memory_space<hbm>>, %arg6: memref<4x16xf32, #tpu.memory_space<hbm>>, %arg7: memref<10240x128xf32, #tpu.memory_space<hbm>>, %arg8: memref<320xi32, #tpu.memory_space<vmem>>, %arg9: memref<320xi32, #tpu.memory_space<vmem>>, %arg10: memref<320xi32, #tpu.memory_space<vmem>>, %arg11: memref<320x128xf32, #tpu.memory_space<vmem>>, %arg12: memref<320x128xf32, #tpu.memory_space<vmem>>, %arg13: memref<320x128xf32, #tpu.memory_space<vmem>>, %arg14: memref<4x16xf32, #tpu.memory_space<vmem>>, %arg15: memref<!tpu.dma_semaphore, #tpu.memory_space<semaphore_mem>>, %arg16: memref<!tpu.dma_semaphore, #tpu.memory_space<semaphore_mem>>) attributes {dimension_semantics = [#tpu.dimension_semantics<core_parallel>, #tpu.dimension_semantics<subcore_parallel>], iteration_bounds = array<i64: 2, 16>, scalar_prefetch = 0 : i64, scratch_operands = 9 : i64, tpu.core_type = #tpu.core_type<sc_vector_subcore>, window_params = [{transform_indices = #map}, {transform_indices = #map1}, {transform_indices = #map1}, {transform_indices = #map1}, {transform_indices = #map}, {transform_indices = #map}]} {
    %mul3A = arith.constant 2 : i32
    %mul3A_0 = arith.muli %arg1, %mul3A : i32
    %add3A = arith.addi %mul3A_0, %arg0 : i32
    %mul3A_1 = arith.constant 320 : i32
    %mul3A_2 = arith.muli %add3A, %mul3A_1 : i32
    "tpu.region"() ({
      %run_scoped3A = tpu.sem_alloc : memref<!tpu.dma_semaphore, #tpu.memory_space<semaphore_mem>>
      tpu.enqueue_dma source(%arg6 : memref<4x16xf32, #tpu.memory_space<hbm>>) target(%arg14 : memref<4x16xf32, #tpu.memory_space<vmem>>) target_semaphore(%run_scoped3A : memref<!tpu.dma_semaphore, #tpu.memory_space<semaphore_mem>>)
      tpu.wait_dma2 semaphore(%run_scoped3A : memref<!tpu.dma_semaphore, #tpu.memory_space<semaphore_mem>>) src(%arg6 : memref<4x16xf32, #tpu.memory_space<hbm>>) dst(%arg14 : memref<4x16xf32, #tpu.memory_space<vmem>>)
      tpu.yield
    }) : () -> ()
    %dma_start3A = tpu.memref_slice %arg3[%mul3A_2] : memref<10240xi32, #tpu.memory_space<hbm>> -> memref<320xi32, #tpu.memory_space<hbm>>
    %dma_start3A_3 = tpu.memref_slice %arg3[%mul3A_2] : memref<10240xi32, #tpu.memory_space<hbm>> -> memref<320xi32, #tpu.memory_space<hbm>>
    tpu.enqueue_dma source(%dma_start3A_3 : memref<320xi32, #tpu.memory_space<hbm>>) target(%arg8 : memref<320xi32, #tpu.memory_space<vmem>>) target_semaphore(%arg15 : memref<!tpu.dma_semaphore, #tpu.memory_space<semaphore_mem>>)
    %dma_wait3A = tpu.memref_slice %arg3[%mul3A_2] : memref<10240xi32, #tpu.memory_space<hbm>> -> memref<320xi32, #tpu.memory_space<hbm>>
    %dma_wait3A_4 = tpu.memref_slice %arg3[%mul3A_2] : memref<10240xi32, #tpu.memory_space<hbm>> -> memref<320xi32, #tpu.memory_space<hbm>>
    tpu.wait_dma2 semaphore(%arg15 : memref<!tpu.dma_semaphore, #tpu.memory_space<semaphore_mem>>) src(%dma_wait3A_4 : memref<320xi32, #tpu.memory_space<hbm>>) dst(%arg8 : memref<320xi32, #tpu.memory_space<vmem>>)
    %dma_start3A_5 = tpu.memref_slice %arg4[%mul3A_2] : memref<10240xi32, #tpu.memory_space<hbm>> -> memref<320xi32, #tpu.memory_space<hbm>>
    %dma_start3A_6 = tpu.memref_slice %arg4[%mul3A_2] : memref<10240xi32, #tpu.memory_space<hbm>> -> memref<320xi32, #tpu.memory_space<hbm>>
    tpu.enqueue_dma source(%dma_start3A_6 : memref<320xi32, #tpu.memory_space<hbm>>) target(%arg9 : memref<320xi32, #tpu.memory_space<vmem>>) target_semaphore(%arg15 : memref<!tpu.dma_semaphore, #tpu.memory_space<semaphore_mem>>)
    %dma_wait3A_7 = tpu.memref_slice %arg4[%mul3A_2] : memref<10240xi32, #tpu.memory_space<hbm>> -> memref<320xi32, #tpu.memory_space<hbm>>
    %dma_wait3A_8 = tpu.memref_slice %arg4[%mul3A_2] : memref<10240xi32, #tpu.memory_space<hbm>> -> memref<320xi32, #tpu.memory_space<hbm>>
    tpu.wait_dma2 semaphore(%arg15 : memref<!tpu.dma_semaphore, #tpu.memory_space<semaphore_mem>>) src(%dma_wait3A_8 : memref<320xi32, #tpu.memory_space<hbm>>) dst(%arg9 : memref<320xi32, #tpu.memory_space<vmem>>)
    %dma_start3A_9 = tpu.memref_slice %arg5[%mul3A_2] : memref<10240xi32, #tpu.memory_space<hbm>> -> memref<320xi32, #tpu.memory_space<hbm>>
    %dma_start3A_10 = tpu.memref_slice %arg5[%mul3A_2] : memref<10240xi32, #tpu.memory_space<hbm>> -> memref<320xi32, #tpu.memory_space<hbm>>
    tpu.enqueue_dma source(%dma_start3A_10 : memref<320xi32, #tpu.memory_space<hbm>>) target(%arg10 : memref<320xi32, #tpu.memory_space<vmem>>) target_semaphore(%arg15 : memref<!tpu.dma_semaphore, #tpu.memory_space<semaphore_mem>>)
    %dma_wait3A_11 = tpu.memref_slice %arg5[%mul3A_2] : memref<10240xi32, #tpu.memory_space<hbm>> -> memref<320xi32, #tpu.memory_space<hbm>>
    %dma_wait3A_12 = tpu.memref_slice %arg5[%mul3A_2] : memref<10240xi32, #tpu.memory_space<hbm>> -> memref<320xi32, #tpu.memory_space<hbm>>
    tpu.wait_dma2 semaphore(%arg15 : memref<!tpu.dma_semaphore, #tpu.memory_space<semaphore_mem>>) src(%dma_wait3A_12 : memref<320xi32, #tpu.memory_space<hbm>>) dst(%arg10 : memref<320xi32, #tpu.memory_space<vmem>>)
    %dma_start3A_13 = arith.constant 0 : i32
    %dma_start3A_14 = arith.constant 0 : i32
    %dma_start3A_15 = tpu.memref_slice %arg2[%dma_start3A_13, %dma_start3A_14] : memref<10000x128xf32, #tpu.memory_space<hbm>> -> memref<10000x128xf32, #tpu.memory_space<hbm>>
    tpu.enqueue_indirect_dma source(%dma_start3A_15 : memref<10000x128xf32, #tpu.memory_space<hbm>>) target(%arg11 : memref<320x128xf32, #tpu.memory_space<vmem>>) offsets(%arg8 : memref<320xi32, #tpu.memory_space<vmem>>) semaphore(%arg16 : memref<!tpu.dma_semaphore, #tpu.memory_space<semaphore_mem>>)
    %dma_start3A_16 = arith.constant 0 : i32
    %dma_start3A_17 = arith.constant 0 : i32
    %dma_start3A_18 = tpu.memref_slice %arg2[%dma_start3A_16, %dma_start3A_17] : memref<10000x128xf32, #tpu.memory_space<hbm>> -> memref<10000x128xf32, #tpu.memory_space<hbm>>
    tpu.enqueue_indirect_dma source(%dma_start3A_18 : memref<10000x128xf32, #tpu.memory_space<hbm>>) target(%arg12 : memref<320x128xf32, #tpu.memory_space<vmem>>) offsets(%arg9 : memref<320xi32, #tpu.memory_space<vmem>>) semaphore(%arg16 : memref<!tpu.dma_semaphore, #tpu.memory_space<semaphore_mem>>)
    %dma_start3A_19 = arith.constant 0 : i32
    %dma_start3A_20 = arith.constant 0 : i32
    %dma_start3A_21 = tpu.memref_slice %arg2[%dma_start3A_19, %dma_start3A_20] : memref<10000x128xf32, #tpu.memory_space<hbm>> -> memref<10000x128xf32, #tpu.memory_space<hbm>>
    tpu.enqueue_indirect_dma source(%dma_start3A_21 : memref<10000x128xf32, #tpu.memory_space<hbm>>) target(%arg13 : memref<320x128xf32, #tpu.memory_space<vmem>>) offsets(%arg10 : memref<320xi32, #tpu.memory_space<vmem>>) semaphore(%arg16 : memref<!tpu.dma_semaphore, #tpu.memory_space<semaphore_mem>>)
    %dma_wait3A_22 = arith.constant 0 : i32
    %dma_wait3A_23 = arith.constant 0 : i32
    %dma_wait3A_24 = tpu.memref_slice %arg2[%dma_wait3A_22, %dma_wait3A_23] : memref<10000x128xf32, #tpu.memory_space<hbm>> -> memref<10000x128xf32, #tpu.memory_space<hbm>>
    tpu.wait_indirect_dma semaphore(%arg16 : memref<!tpu.dma_semaphore, #tpu.memory_space<semaphore_mem>>) src(%dma_wait3A_24 : memref<10000x128xf32, #tpu.memory_space<hbm>>) dst(%arg11 : memref<320x128xf32, #tpu.memory_space<vmem>>)
    %dma_wait3A_25 = arith.constant 0 : i32
    %dma_wait3A_26 = arith.constant 0 : i32
    %dma_wait3A_27 = tpu.memref_slice %arg2[%dma_wait3A_25, %dma_wait3A_26] : memref<10000x128xf32, #tpu.memory_space<hbm>> -> memref<10000x128xf32, #tpu.memory_space<hbm>>
    tpu.wait_indirect_dma semaphore(%arg16 : memref<!tpu.dma_semaphore, #tpu.memory_space<semaphore_mem>>) src(%dma_wait3A_27 : memref<10000x128xf32, #tpu.memory_space<hbm>>) dst(%arg12 : memref<320x128xf32, #tpu.memory_space<vmem>>)
    %dma_wait3A_28 = arith.constant 0 : i32
    %dma_wait3A_29 = arith.constant 0 : i32
    %dma_wait3A_30 = tpu.memref_slice %arg2[%dma_wait3A_28, %dma_wait3A_29] : memref<10000x128xf32, #tpu.memory_space<hbm>> -> memref<10000x128xf32, #tpu.memory_space<hbm>>
    tpu.wait_indirect_dma semaphore(%arg16 : memref<!tpu.dma_semaphore, #tpu.memory_space<semaphore_mem>>) src(%dma_wait3A_30 : memref<10000x128xf32, #tpu.memory_space<hbm>>) dst(%arg13 : memref<320x128xf32, #tpu.memory_space<vmem>>)
    %get3A = arith.constant 0 : i32
    %get3A_31 = arith.index_cast %get3A : i32 to index
    %get3A_32 = arith.constant 0 : index
    %get3A_33 = tpu.vector_load %arg14[%get3A_31, %get3A_32] {strides = array<i32>} : memref<4x16xf32, #tpu.memory_space<vmem>>, vector<1x16xf32>,
    %get3A_34 = vector.shape_cast %get3A_33 : vector<1x16xf32> to vector<16xf32>
    %get3A_35 = arith.constant 1 : i32
    %get3A_36 = arith.index_cast %get3A_35 : i32 to index
    %get3A_37 = arith.constant 0 : index
    %get3A_38 = tpu.vector_load %arg14[%get3A_36, %get3A_37] {strides = array<i32>} : memref<4x16xf32, #tpu.memory_space<vmem>>, vector<1x16xf32>,
    %get3A_39 = vector.shape_cast %get3A_38 : vector<1x16xf32> to vector<16xf32>
    %get3A_40 = arith.constant 2 : i32
    %get3A_41 = arith.index_cast %get3A_40 : i32 to index
    %get3A_42 = arith.constant 0 : index
    %get3A_43 = tpu.vector_load %arg14[%get3A_41, %get3A_42] {strides = array<i32>} : memref<4x16xf32, #tpu.memory_space<vmem>>, vector<1x16xf32>,
    %get3A_44 = vector.shape_cast %get3A_43 : vector<1x16xf32> to vector<16xf32>
    %get3A_45 = arith.constant 3 : i32
    %get3A_46 = arith.index_cast %get3A_45 : i32 to index
    %get3A_47 = arith.constant 0 : index
    %get3A_48 = tpu.vector_load %arg14[%get3A_46, %get3A_47] {strides = array<i32>} : memref<4x16xf32, #tpu.memory_space<vmem>>, vector<1x16xf32>,
    %get3A_49 = vector.shape_cast %get3A_48 : vector<1x16xf32> to vector<16xf32>
    %scan3A = arith.constant 0 : i32
    %scan3A_50 = arith.constant 0 : i32
    %scan3A_51 = arith.constant 320 : i32
    %scan3A_52 = arith.addi %scan3A_50, %scan3A_51 : i32
    %scan3A_53 = arith.constant 1 : i32
    scf.for %scan3A_55 = %scan3A_50 to %scan3A_52 step %scan3A_53  : i32 {
      %get3A_56 = arith.index_cast %scan3A_55 : i32 to index
      %get3A_57 = arith.constant 0 : index
      %get3A_58 = tpu.vector_load %arg11[%get3A_56, %get3A_57] {strides = array<i32>} : memref<320x128xf32, #tpu.memory_space<vmem>>, vector<1x16xf32>,
      %get3A_59 = vector.shape_cast %get3A_58 : vector<1x16xf32> to vector<16xf32>
      %mul3A_60 = arith.mulf %get3A_59, %get3A_34 : vector<16xf32>
      %get3A_61 = arith.index_cast %scan3A_55 : i32 to index
      %get3A_62 = arith.constant 0 : index
      %get3A_63 = tpu.vector_load %arg12[%get3A_61, %get3A_62] {strides = array<i32>} : memref<320x128xf32, #tpu.memory_space<vmem>>, vector<1x16xf32>,
      %get3A_64 = vector.shape_cast %get3A_63 : vector<1x16xf32> to vector<16xf32>
      %mul3A_65 = arith.mulf %get3A_64, %get3A_39 : vector<16xf32>
      %add3A_66 = arith.addf %mul3A_60, %mul3A_65 : vector<16xf32>
      %get3A_67 = arith.index_cast %scan3A_55 : i32 to index
      %get3A_68 = arith.constant 0 : index
      %get3A_69 = tpu.vector_load %arg13[%get3A_67, %get3A_68] {strides = array<i32>} : memref<320x128xf32, #tpu.memory_space<vmem>>, vector<1x16xf32>,
      %get3A_70 = vector.shape_cast %get3A_69 : vector<1x16xf32> to vector<16xf32>
      %mul3A_71 = arith.mulf %get3A_70, %get3A_44 : vector<16xf32>
      %add3A_72 = arith.addf %add3A_66, %mul3A_71 : vector<16xf32>
      %add3A_73 = arith.addf %add3A_72, %get3A_49 : vector<16xf32>
      %swap3A = arith.index_cast %scan3A_55 : i32 to index
      %swap3A_74 = arith.constant 0 : index
      %swap3A_75 = tpu.vector_load %arg11[%swap3A, %swap3A_74] {strides = array<i32>} : memref<320x128xf32, #tpu.memory_space<vmem>>, vector<1x16xf32>,
      %swap3A_76 = vector.shape_cast %swap3A_75 : vector<1x16xf32> to vector<16xf32>
      %swap3A_77 = vector.shape_cast %add3A_73 : vector<16xf32> to vector<1x16xf32>
      tpu.vector_store %arg11[%swap3A, %swap3A_74], %swap3A_77 {strides = array<i32>} : memref<320x128xf32, #tpu.memory_space<vmem>>, vector<1x16xf32>,
      %get3A_78 = arith.index_cast %scan3A_55 : i32 to index
      %get3A_79 = arith.constant 16 : index
      %get3A_80 = tpu.vector_load %arg11[%get3A_78, %get3A_79] {strides = array<i32>} : memref<320x128xf32, #tpu.memory_space<vmem>>, vector<1x16xf32>,
      %get3A_81 = vector.shape_cast %get3A_80 : vector<1x16xf32> to vector<16xf32>
      %mul3A_82 = arith.mulf %get3A_81, %get3A_34 : vector<16xf32>
      %get3A_83 = arith.index_cast %scan3A_55 : i32 to index
      %get3A_84 = arith.constant 16 : index
      %get3A_85 = tpu.vector_load %arg12[%get3A_83, %get3A_84] {strides = array<i32>} : memref<320x128xf32, #tpu.memory_space<vmem>>, vector<1x16xf32>,
      %get3A_86 = vector.shape_cast %get3A_85 : vector<1x16xf32> to vector<16xf32>
      %mul3A_87 = arith.mulf %get3A_86, %get3A_39 : vector<16xf32>
      %add3A_88 = arith.addf %mul3A_82, %mul3A_87 : vector<16xf32>
      %get3A_89 = arith.index_cast %scan3A_55 : i32 to index
      %get3A_90 = arith.constant 16 : index
      %get3A_91 = tpu.vector_load %arg13[%get3A_89, %get3A_90] {strides = array<i32>} : memref<320x128xf32, #tpu.memory_space<vmem>>, vector<1x16xf32>,
      %get3A_92 = vector.shape_cast %get3A_91 : vector<1x16xf32> to vector<16xf32>
      %mul3A_93 = arith.mulf %get3A_92, %get3A_44 : vector<16xf32>
      %add3A_94 = arith.addf %add3A_88, %mul3A_93 : vector<16xf32>
      %add3A_95 = arith.addf %add3A_94, %get3A_49 : vector<16xf32>
      %swap3A_96 = arith.index_cast %scan3A_55 : i32 to index
      %swap3A_97 = arith.constant 16 : index
      %swap3A_98 = tpu.vector_load %arg11[%swap3A_96, %swap3A_97] {strides = array<i32>} : memref<320x128xf32, #tpu.memory_space<vmem>>, vector<1x16xf32>,
      %swap3A_99 = vector.shape_cast %swap3A_98 : vector<1x16xf32> to vector<16xf32>
      %swap3A_100 = vector.shape_cast %add3A_95 : vector<16xf32> to vector<1x16xf32>
      tpu.vector_store %arg11[%swap3A_96, %swap3A_97], %swap3A_100 {strides = array<i32>} : memref<320x128xf32, #tpu.memory_space<vmem>>, vector<1x16xf32>,
      %get3A_101 = arith.index_cast %scan3A_55 : i32 to index
      %get3A_102 = arith.constant 32 : index
      %get3A_103 = tpu.vector_load %arg11[%get3A_101, %get3A_102] {strides = array<i32>} : memref<320x128xf32, #tpu.memory_space<vmem>>, vector<1x16xf32>,
      %get3A_104 = vector.shape_cast %get3A_103 : vector<1x16xf32> to vector<16xf32>
      %mul3A_105 = arith.mulf %get3A_104, %get3A_34 : vector<16xf32>
      %get3A_106 = arith.index_cast %scan3A_55 : i32 to index
      %get3A_107 = arith.constant 32 : index
      %get3A_108 = tpu.vector_load %arg12[%get3A_106, %get3A_107] {strides = array<i32>} : memref<320x128xf32, #tpu.memory_space<vmem>>, vector<1x16xf32>,
      %get3A_109 = vector.shape_cast %get3A_108 : vector<1x16xf32> to vector<16xf32>
      %mul3A_110 = arith.mulf %get3A_109, %get3A_39 : vector<16xf32>
      %add3A_111 = arith.addf %mul3A_105, %mul3A_110 : vector<16xf32>
      %get3A_112 = arith.index_cast %scan3A_55 : i32 to index
      %get3A_113 = arith.constant 32 : index
      %get3A_114 = tpu.vector_load %arg13[%get3A_112, %get3A_113] {strides = array<i32>} : memref<320x128xf32, #tpu.memory_space<vmem>>, vector<1x16xf32>,
      %get3A_115 = vector.shape_cast %get3A_114 : vector<1x16xf32> to vector<16xf32>
      %mul3A_116 = arith.mulf %get3A_115, %get3A_44 : vector<16xf32>
      %add3A_117 = arith.addf %add3A_111, %mul3A_116 : vector<16xf32>
      %add3A_118 = arith.addf %add3A_117, %get3A_49 : vector<16xf32>
      %swap3A_119 = arith.index_cast %scan3A_55 : i32 to index
      %swap3A_120 = arith.constant 32 : index
      %swap3A_121 = tpu.vector_load %arg11[%swap3A_119, %swap3A_120] {strides = array<i32>} : memref<320x128xf32, #tpu.memory_space<vmem>>, vector<1x16xf32>,
      %swap3A_122 = vector.shape_cast %swap3A_121 : vector<1x16xf32> to vector<16xf32>
      %swap3A_123 = vector.shape_cast %add3A_118 : vector<16xf32> to vector<1x16xf32>
      tpu.vector_store %arg11[%swap3A_119, %swap3A_120], %swap3A_123 {strides = array<i32>} : memref<320x128xf32, #tpu.memory_space<vmem>>, vector<1x16xf32>,
      %get3A_124 = arith.index_cast %scan3A_55 : i32 to index
      %get3A_125 = arith.constant 48 : index
      %get3A_126 = tpu.vector_load %arg11[%get3A_124, %get3A_125] {strides = array<i32>} : memref<320x128xf32, #tpu.memory_space<vmem>>, vector<1x16xf32>,
      %get3A_127 = vector.shape_cast %get3A_126 : vector<1x16xf32> to vector<16xf32>
      %mul3A_128 = arith.mulf %get3A_127, %get3A_34 : vector<16xf32>
      %get3A_129 = arith.index_cast %scan3A_55 : i32 to index
      %get3A_130 = arith.constant 48 : index
      %get3A_131 = tpu.vector_load %arg12[%get3A_129, %get3A_130] {strides = array<i32>} : memref<320x128xf32, #tpu.memory_space<vmem>>, vector<1x16xf32>,
      %get3A_132 = vector.shape_cast %get3A_131 : vector<1x16xf32> to vector<16xf32>
      %mul3A_133 = arith.mulf %get3A_132, %get3A_39 : vector<16xf32>
      %add3A_134 = arith.addf %mul3A_128, %mul3A_133 : vector<16xf32>
      %get3A_135 = arith.index_cast %scan3A_55 : i32 to index
      %get3A_136 = arith.constant 48 : index
      %get3A_137 = tpu.vector_load %arg13[%get3A_135, %get3A_136] {strides = array<i32>} : memref<320x128xf32, #tpu.memory_space<vmem>>, vector<1x16xf32>,
      %get3A_138 = vector.shape_cast %get3A_137 : vector<1x16xf32> to vector<16xf32>
      %mul3A_139 = arith.mulf %get3A_138, %get3A_44 : vector<16xf32>
      %add3A_140 = arith.addf %add3A_134, %mul3A_139 : vector<16xf32>
      %add3A_141 = arith.addf %add3A_140, %get3A_49 : vector<16xf32>
      %swap3A_142 = arith.index_cast %scan3A_55 : i32 to index
      %swap3A_143 = arith.constant 48 : index
      %swap3A_144 = tpu.vector_load %arg11[%swap3A_142, %swap3A_143] {strides = array<i32>} : memref<320x128xf32, #tpu.memory_space<vmem>>, vector<1x16xf32>,
      %swap3A_145 = vector.shape_cast %swap3A_144 : vector<1x16xf32> to vector<16xf32>
      %swap3A_146 = vector.shape_cast %add3A_141 : vector<16xf32> to vector<1x16xf32>
      tpu.vector_store %arg11[%swap3A_142, %swap3A_143], %swap3A_146 {strides = array<i32>} : memref<320x128xf32, #tpu.memory_space<vmem>>, vector<1x16xf32>,
      %get3A_147 = arith.index_cast %scan3A_55 : i32 to index
      %get3A_148 = arith.constant 64 : index
      %get3A_149 = tpu.vector_load %arg11[%get3A_147, %get3A_148] {strides = array<i32>} : memref<320x128xf32, #tpu.memory_space<vmem>>, vector<1x16xf32>,
      %get3A_150 = vector.shape_cast %get3A_149 : vector<1x16xf32> to vector<16xf32>
      %mul3A_151 = arith.mulf %get3A_150, %get3A_34 : vector<16xf32>
      %get3A_152 = arith.index_cast %scan3A_55 : i32 to index
      %get3A_153 = arith.constant 64 : index
      %get3A_154 = tpu.vector_load %arg12[%get3A_152, %get3A_153] {strides = array<i32>} : memref<320x128xf32, #tpu.memory_space<vmem>>, vector<1x16xf32>,
      %get3A_155 = vector.shape_cast %get3A_154 : vector<1x16xf32> to vector<16xf32>
      %mul3A_156 = arith.mulf %get3A_155, %get3A_39 : vector<16xf32>
      %add3A_157 = arith.addf %mul3A_151, %mul3A_156 : vector<16xf32>
      %get3A_158 = arith.index_cast %scan3A_55 : i32 to index
      %get3A_159 = arith.constant 64 : index
      %get3A_160 = tpu.vector_load %arg13[%get3A_158, %get3A_159] {strides = array<i32>} : memref<320x128xf32, #tpu.memory_space<vmem>>, vector<1x16xf32>,
      %get3A_161 = vector.shape_cast %get3A_160 : vector<1x16xf32> to vector<16xf32>
      %mul3A_162 = arith.mulf %get3A_161, %get3A_44 : vector<16xf32>
      %add3A_163 = arith.addf %add3A_157, %mul3A_162 : vector<16xf32>
      %add3A_164 = arith.addf %add3A_163, %get3A_49 : vector<16xf32>
      %swap3A_165 = arith.index_cast %scan3A_55 : i32 to index
      %swap3A_166 = arith.constant 64 : index
      %swap3A_167 = tpu.vector_load %arg11[%swap3A_165, %swap3A_166] {strides = array<i32>} : memref<320x128xf32, #tpu.memory_space<vmem>>, vector<1x16xf32>,
      %swap3A_168 = vector.shape_cast %swap3A_167 : vector<1x16xf32> to vector<16xf32>
      %swap3A_169 = vector.shape_cast %add3A_164 : vector<16xf32> to vector<1x16xf32>
      tpu.vector_store %arg11[%swap3A_165, %swap3A_166], %swap3A_169 {strides = array<i32>} : memref<320x128xf32, #tpu.memory_space<vmem>>, vector<1x16xf32>,
      %get3A_170 = arith.index_cast %scan3A_55 : i32 to index
      %get3A_171 = arith.constant 80 : index
      %get3A_172 = tpu.vector_load %arg11[%get3A_170, %get3A_171] {strides = array<i32>} : memref<320x128xf32, #tpu.memory_space<vmem>>, vector<1x16xf32>,
      %get3A_173 = vector.shape_cast %get3A_172 : vector<1x16xf32> to vector<16xf32>
      %mul3A_174 = arith.mulf %get3A_173, %get3A_34 : vector<16xf32>
      %get3A_175 = arith.index_cast %scan3A_55 : i32 to index
      %get3A_176 = arith.constant 80 : index
      %get3A_177 = tpu.vector_load %arg12[%get3A_175, %get3A_176] {strides = array<i32>} : memref<320x128xf32, #tpu.memory_space<vmem>>, vector<1x16xf32>,
      %get3A_178 = vector.shape_cast %get3A_177 : vector<1x16xf32> to vector<16xf32>
      %mul3A_179 = arith.mulf %get3A_178, %get3A_39 : vector<16xf32>
      %add3A_180 = arith.addf %mul3A_174, %mul3A_179 : vector<16xf32>
      %get3A_181 = arith.index_cast %scan3A_55 : i32 to index
      %get3A_182 = arith.constant 80 : index
      %get3A_183 = tpu.vector_load %arg13[%get3A_181, %get3A_182] {strides = array<i32>} : memref<320x128xf32, #tpu.memory_space<vmem>>, vector<1x16xf32>,
      %get3A_184 = vector.shape_cast %get3A_183 : vector<1x16xf32> to vector<16xf32>
      %mul3A_185 = arith.mulf %get3A_184, %get3A_44 : vector<16xf32>
      %add3A_186 = arith.addf %add3A_180, %mul3A_185 : vector<16xf32>
      %add3A_187 = arith.addf %add3A_186, %get3A_49 : vector<16xf32>
      %swap3A_188 = arith.index_cast %scan3A_55 : i32 to index
      %swap3A_189 = arith.constant 80 : index
      %swap3A_190 = tpu.vector_load %arg11[%swap3A_188, %swap3A_189] {strides = array<i32>} : memref<320x128xf32, #tpu.memory_space<vmem>>, vector<1x16xf32>,
      %swap3A_191 = vector.shape_cast %swap3A_190 : vector<1x16xf32> to vector<16xf32>
      %swap3A_192 = vector.shape_cast %add3A_187 : vector<16xf32> to vector<1x16xf32>
      tpu.vector_store %arg11[%swap3A_188, %swap3A_189], %swap3A_192 {strides = array<i32>} : memref<320x128xf32, #tpu.memory_space<vmem>>, vector<1x16xf32>,
      %get3A_193 = arith.index_cast %scan3A_55 : i32 to index
      %get3A_194 = arith.constant 96 : index
      %get3A_195 = tpu.vector_load %arg11[%get3A_193, %get3A_194] {strides = array<i32>} : memref<320x128xf32, #tpu.memory_space<vmem>>, vector<1x16xf32>,
      %get3A_196 = vector.shape_cast %get3A_195 : vector<1x16xf32> to vector<16xf32>
      %mul3A_197 = arith.mulf %get3A_196, %get3A_34 : vector<16xf32>
      %get3A_198 = arith.index_cast %scan3A_55 : i32 to index
      %get3A_199 = arith.constant 96 : index
      %get3A_200 = tpu.vector_load %arg12[%get3A_198, %get3A_199] {strides = array<i32>} : memref<320x128xf32, #tpu.memory_space<vmem>>, vector<1x16xf32>,
      %get3A_201 = vector.shape_cast %get3A_200 : vector<1x16xf32> to vector<16xf32>
      %mul3A_202 = arith.mulf %get3A_201, %get3A_39 : vector<16xf32>
      %add3A_203 = arith.addf %mul3A_197, %mul3A_202 : vector<16xf32>
      %get3A_204 = arith.index_cast %scan3A_55 : i32 to index
      %get3A_205 = arith.constant 96 : index
      %get3A_206 = tpu.vector_load %arg13[%get3A_204, %get3A_205] {strides = array<i32>} : memref<320x128xf32, #tpu.memory_space<vmem>>, vector<1x16xf32>,
      %get3A_207 = vector.shape_cast %get3A_206 : vector<1x16xf32> to vector<16xf32>
      %mul3A_208 = arith.mulf %get3A_207, %get3A_44 : vector<16xf32>
      %add3A_209 = arith.addf %add3A_203, %mul3A_208 : vector<16xf32>
      %add3A_210 = arith.addf %add3A_209, %get3A_49 : vector<16xf32>
      %swap3A_211 = arith.index_cast %scan3A_55 : i32 to index
      %swap3A_212 = arith.constant 96 : index
      %swap3A_213 = tpu.vector_load %arg11[%swap3A_211, %swap3A_212] {strides = array<i32>} : memref<320x128xf32, #tpu.memory_space<vmem>>, vector<1x16xf32>,
      %swap3A_214 = vector.shape_cast %swap3A_213 : vector<1x16xf32> to vector<16xf32>
      %swap3A_215 = vector.shape_cast %add3A_210 : vector<16xf32> to vector<1x16xf32>
      tpu.vector_store %arg11[%swap3A_211, %swap3A_212], %swap3A_215 {strides = array<i32>} : memref<320x128xf32, #tpu.memory_space<vmem>>, vector<1x16xf32>,
      %get3A_216 = arith.index_cast %scan3A_55 : i32 to index
      %get3A_217 = arith.constant 112 : index
      %get3A_218 = tpu.vector_load %arg11[%get3A_216, %get3A_217] {strides = array<i32>} : memref<320x128xf32, #tpu.memory_space<vmem>>, vector<1x16xf32>,
      %get3A_219 = vector.shape_cast %get3A_218 : vector<1x16xf32> to vector<16xf32>
      %mul3A_220 = arith.mulf %get3A_219, %get3A_34 : vector<16xf32>
      %get3A_221 = arith.index_cast %scan3A_55 : i32 to index
      %get3A_222 = arith.constant 112 : index
      %get3A_223 = tpu.vector_load %arg12[%get3A_221, %get3A_222] {strides = array<i32>} : memref<320x128xf32, #tpu.memory_space<vmem>>, vector<1x16xf32>,
      %get3A_224 = vector.shape_cast %get3A_223 : vector<1x16xf32> to vector<16xf32>
      %mul3A_225 = arith.mulf %get3A_224, %get3A_39 : vector<16xf32>
      %add3A_226 = arith.addf %mul3A_220, %mul3A_225 : vector<16xf32>
      %get3A_227 = arith.index_cast %scan3A_55 : i32 to index
      %get3A_228 = arith.constant 112 : index
      %get3A_229 = tpu.vector_load %arg13[%get3A_227, %get3A_228] {strides = array<i32>} : memref<320x128xf32, #tpu.memory_space<vmem>>, vector<1x16xf32>,
      %get3A_230 = vector.shape_cast %get3A_229 : vector<1x16xf32> to vector<16xf32>
      %mul3A_231 = arith.mulf %get3A_230, %get3A_44 : vector<16xf32>
      %add3A_232 = arith.addf %add3A_226, %mul3A_231 : vector<16xf32>
      %add3A_233 = arith.addf %add3A_232, %get3A_49 : vector<16xf32>
      %swap3A_234 = arith.index_cast %scan3A_55 : i32 to index
      %swap3A_235 = arith.constant 112 : index
      %swap3A_236 = tpu.vector_load %arg11[%swap3A_234, %swap3A_235] {strides = array<i32>} : memref<320x128xf32, #tpu.memory_space<vmem>>, vector<1x16xf32>,
      %swap3A_237 = vector.shape_cast %swap3A_236 : vector<1x16xf32> to vector<16xf32>
      %swap3A_238 = vector.shape_cast %add3A_233 : vector<16xf32> to vector<1x16xf32>
      tpu.vector_store %arg11[%swap3A_234, %swap3A_235], %swap3A_238 {strides = array<i32>} : memref<320x128xf32, #tpu.memory_space<vmem>>, vector<1x16xf32>,
    }
    %scan3A_54 = arith.constant 320 : i32
    "tpu.region"() ({
      %run_scoped3A = tpu.sem_alloc : memref<!tpu.dma_semaphore, #tpu.memory_space<semaphore_mem>>
      %dma_start3A_55 = arith.constant 0 : i32
      %dma_start3A_56 = tpu.memref_slice %arg7[%mul3A_2, %dma_start3A_55] : memref<10240x128xf32, #tpu.memory_space<hbm>> -> memref<320x128xf32, #tpu.memory_space<hbm>>
      %dma_start3A_57 = arith.constant 0 : i32
      %dma_start3A_58 = tpu.memref_slice %arg7[%mul3A_2, %dma_start3A_57] : memref<10240x128xf32, #tpu.memory_space<hbm>> -> memref<320x128xf32, #tpu.memory_space<hbm>>
      tpu.enqueue_dma source(%arg11 : memref<320x128xf32, #tpu.memory_space<vmem>>) target(%dma_start3A_58 : memref<320x128xf32, #tpu.memory_space<hbm>>) target_semaphore(%run_scoped3A : memref<!tpu.dma_semaphore, #tpu.memory_space<semaphore_mem>>)
      %dma_wait3A_59 = arith.constant 0 : i32
      %dma_wait3A_60 = tpu.memref_slice %arg7[%mul3A_2, %dma_wait3A_59] : memref<10240x128xf32, #tpu.memory_space<hbm>> -> memref<320x128xf32, #tpu.memory_space<hbm>>
      %dma_wait3A_61 = arith.constant 0 : i32
      %dma_wait3A_62 = tpu.memref_slice %arg7[%mul3A_2, %dma_wait3A_61] : memref<10240x128xf32, #tpu.memory_space<hbm>> -> memref<320x128xf32, #tpu.memory_space<hbm>>
      tpu.wait_dma2 semaphore(%run_scoped3A : memref<!tpu.dma_semaphore, #tpu.memory_space<semaphore_mem>>) src(%arg11 : memref<320x128xf32, #tpu.memory_space<vmem>>) dst(%dma_wait3A_62 : memref<320x128xf32, #tpu.memory_space<hbm>>)
      tpu.yield
    }) : () -> ()
    return
  }
}

module attributes {stable_mosaic.version = 14 : i64} {
  func.func @_fc_body(%arg0: i32, %arg1: memref<512x128xf32, #tpu.memory_space<vmem>>, %arg2: memref<128x128xf32, #tpu.memory_space<vmem>>, %arg3: memref<512x128xf32, #tpu.memory_space<vmem>>) attributes {dimension_semantics = [#tpu.dimension_semantics<arbitrary>], iteration_bounds = array<i64: 20>, scalar_prefetch = 0 : i64, scratch_operands = 0 : i64, tpu.core_type = #tpu.core_type<tc>, window_params = [{transform_indices = @transform_0, window_bounds = array<i64: 512, 128>}, {pipeline_mode = #tpu.pipeline_mode<synchronous>, transform_indices = @transform_1, window_bounds = array<i64: 128, 128>}, {transform_indices = @transform_2, window_bounds = array<i64: 512, 128>}]} {
    %get3A = arith.constant 0 : index
    %get3A_0 = arith.constant 0 : index
    %get3A_1 = vector.load %arg1[%get3A, %get3A_0] : memref<512x128xf32, #tpu.memory_space<vmem>>, vector<512x128xf32>
    %get3A_2 = arith.constant 0 : index
    %get3A_3 = arith.constant 0 : index
    %get3A_4 = vector.load %arg2[%get3A_2, %get3A_3] : memref<128x128xf32, #tpu.memory_space<vmem>>, vector<128x128xf32>
    %dot_general3A = arith.constant dense<0.000000e+00> : vector<512x128xf32>
    %dot_general3A_5 = tpu.matmul %get3A_1, %get3A_4, %dot_general3A {dimension_numbers = #tpu.dot_dimension_numbers<[1], [1], [0], [0], [0, 0, 1, 0], [], []>, transpose_lhs_hint = false} : vector<512x128xf32>, vector<128x128xf32>, vector<512x128xf32> -> vector<512x128xf32>
    %max3A = arith.constant 0.000000e+00 : f32
    %max3A_6 = vector.broadcast %max3A : f32 to vector<512x128xf32>
    %max3A_7 = arith.maximumf %dot_general3A_5, %max3A_6 : vector<512x128xf32>
    %swap3A = arith.constant 0 : index
    %swap3A_8 = arith.constant 0 : index
    %swap3A_9 = vector.load %arg3[%swap3A, %swap3A_8] : memref<512x128xf32, #tpu.memory_space<vmem>>, vector<512x128xf32>
    tpu.vector_store %arg3[%swap3A, %swap3A_8], %max3A_7 {strides = array<i32>} : memref<512x128xf32, #tpu.memory_space<vmem>>, vector<512x128xf32>,
    return
  }
  func.func @transform_0(%arg0: i32) -> (i32, i32) {
    %c0_i32 = arith.constant 0 : i32
    %c0_i32_0 = arith.constant 0 : i32
    return %arg0, %c0_i32 : i32, i32
  }
  func.func @transform_1(%arg0: i32) -> (i32, i32) {
    %c0_i32 = arith.constant 0 : i32
    %c0_i32_0 = arith.constant 0 : i32
    %c0_i32_1 = arith.constant 0 : i32
    return %c0_i32, %c0_i32_0 : i32, i32
  }
  func.func @transform_2(%arg0: i32) -> (i32, i32) {
    %c0_i32 = arith.constant 0 : i32
    %c0_i32_0 = arith.constant 0 : i32
    return %arg0, %c0_i32 : i32, i32
  }
}

module attributes {stable_mosaic.version = 14 : i64} {
  func.func @_topk_body(%arg0: i32, %arg1: memref<10240x128xf32, #tpu.memory_space<vmem>>, %arg2: memref<512x128xf32, #tpu.memory_space<vmem>>, %arg3: memref<512x8xi32, #tpu.memory_space<vmem>>, %arg4: memref<10240x128xf32, #tpu.memory_space<vmem>>) attributes {dimension_semantics = [#tpu.dimension_semantics<arbitrary>], iteration_bounds = array<i64: 20>, scalar_prefetch = 0 : i64, scratch_operands = 1 : i64, tpu.core_type = #tpu.core_type<tc>, window_params = [{pipeline_mode = #tpu.pipeline_mode<synchronous>, transform_indices = @transform_0, window_bounds = array<i64: 10240, 128>}, {transform_indices = @transform_1, window_bounds = array<i64: 512, 128>}, {transform_indices = @transform_2, window_bounds = array<i64: 512, 8>}]} {
    %eq3A = arith.constant 0 : i32
    %eq3A_0 = arith.cmpi eq, %arg0, %eq3A : i32
    %convert_element_type3A = arith.extui %eq3A_0 : i1 to i32
    %cond3A = arith.constant 0 : i32
    %cond3A_1 = arith.cmpi ne, %convert_element_type3A, %cond3A : i32
    scf.if %cond3A_1 {
      %get3A_1022 = arith.constant 0 : index
      %get3A_1023 = arith.constant 0 : index
      %get3A_1024 = vector.load %arg1[%get3A_1022, %get3A_1023] : memref<10240x128xf32, #tpu.memory_space<vmem>>, vector<512x128xf32>
      %mul3A_1025 = arith.mulf %get3A_1024, %get3A_1024 : vector<512x128xf32>
      %reduce_sum3A_1026 = arith.constant dense<0.000000e+00> : vector<512xf32>
      %reduce_sum3A_1027 = vector.multi_reduction <add>, %mul3A_1025, %reduce_sum3A_1026 [1] : vector<512x128xf32> to vector<512xf32>
      %broadcast_in_dim3A_1028 = vector.shape_cast %reduce_sum3A_1027 : vector<512xf32> to vector<512x1xf32>
      %sqrt3A_1029 = math.sqrt %broadcast_in_dim3A_1028 : vector<512x1xf32>
      %max3A_1030 = arith.constant 9.99999996E-13 : f32
      %max3A_1031 = vector.broadcast %max3A_1030 : f32 to vector<512x1xf32>
      %max3A_1032 = arith.maximumf %sqrt3A_1029, %max3A_1031 : vector<512x1xf32>
      %div3A_1033 = vector.broadcast %max3A_1032 : vector<512x1xf32> to vector<512x128xf32>
      %div3A_1034 = arith.divf %get3A_1024, %div3A_1033 : vector<512x128xf32>
      %swap3A_1035 = arith.constant 0 : index
      %swap3A_1036 = arith.constant 0 : index
      %swap3A_1037 = vector.load %arg4[%swap3A_1035, %swap3A_1036] : memref<10240x128xf32, #tpu.memory_space<vmem>>, vector<512x128xf32>
      tpu.vector_store %arg4[%swap3A_1035, %swap3A_1036], %div3A_1034 {strides = array<i32>} : memref<10240x128xf32, #tpu.memory_space<vmem>>, vector<512x128xf32>,
      %get3A_1038 = arith.constant 512 : index
      %get3A_1039 = arith.constant 0 : index
      %get3A_1040 = vector.load %arg1[%get3A_1038, %get3A_1039] : memref<10240x128xf32, #tpu.memory_space<vmem>>, vector<512x128xf32>
      %mul3A_1041 = arith.mulf %get3A_1040, %get3A_1040 : vector<512x128xf32>
      %reduce_sum3A_1042 = arith.constant dense<0.000000e+00> : vector<512xf32>
      %reduce_sum3A_1043 = vector.multi_reduction <add>, %mul3A_1041, %reduce_sum3A_1042 [1] : vector<512x128xf32> to vector<512xf32>
      %broadcast_in_dim3A_1044 = vector.shape_cast %reduce_sum3A_1043 : vector<512xf32> to vector<512x1xf32>
      %sqrt3A_1045 = math.sqrt %broadcast_in_dim3A_1044 : vector<512x1xf32>
      %max3A_1046 = arith.constant 9.99999996E-13 : f32
      %max3A_1047 = vector.broadcast %max3A_1046 : f32 to vector<512x1xf32>
      %max3A_1048 = arith.maximumf %sqrt3A_1045, %max3A_1047 : vector<512x1xf32>
      %div3A_1049 = vector.broadcast %max3A_1048 : vector<512x1xf32> to vector<512x128xf32>
      %div3A_1050 = arith.divf %get3A_1040, %div3A_1049 : vector<512x128xf32>
      %swap3A_1051 = arith.constant 512 : index
      %swap3A_1052 = arith.constant 0 : index
      %swap3A_1053 = vector.load %arg4[%swap3A_1051, %swap3A_1052] : memref<10240x128xf32, #tpu.memory_space<vmem>>, vector<512x128xf32>
      tpu.vector_store %arg4[%swap3A_1051, %swap3A_1052], %div3A_1050 {strides = array<i32>} : memref<10240x128xf32, #tpu.memory_space<vmem>>, vector<512x128xf32>,
      %get3A_1054 = arith.constant 1024 : index
      %get3A_1055 = arith.constant 0 : index
      %get3A_1056 = vector.load %arg1[%get3A_1054, %get3A_1055] : memref<10240x128xf32, #tpu.memory_space<vmem>>, vector<512x128xf32>
      %mul3A_1057 = arith.mulf %get3A_1056, %get3A_1056 : vector<512x128xf32>
      %reduce_sum3A_1058 = arith.constant dense<0.000000e+00> : vector<512xf32>
      %reduce_sum3A_1059 = vector.multi_reduction <add>, %mul3A_1057, %reduce_sum3A_1058 [1] : vector<512x128xf32> to vector<512xf32>
      %broadcast_in_dim3A_1060 = vector.shape_cast %reduce_sum3A_1059 : vector<512xf32> to vector<512x1xf32>
      %sqrt3A_1061 = math.sqrt %broadcast_in_dim3A_1060 : vector<512x1xf32>
      %max3A_1062 = arith.constant 9.99999996E-13 : f32
      %max3A_1063 = vector.broadcast %max3A_1062 : f32 to vector<512x1xf32>
      %max3A_1064 = arith.maximumf %sqrt3A_1061, %max3A_1063 : vector<512x1xf32>
      %div3A_1065 = vector.broadcast %max3A_1064 : vector<512x1xf32> to vector<512x128xf32>
      %div3A_1066 = arith.divf %get3A_1056, %div3A_1065 : vector<512x128xf32>
      %swap3A_1067 = arith.constant 1024 : index
      %swap3A_1068 = arith.constant 0 : index
      %swap3A_1069 = vector.load %arg4[%swap3A_1067, %swap3A_1068] : memref<10240x128xf32, #tpu.memory_space<vmem>>, vector<512x128xf32>
      tpu.vector_store %arg4[%swap3A_1067, %swap3A_1068], %div3A_1066 {strides = array<i32>} : memref<10240x128xf32, #tpu.memory_space<vmem>>, vector<512x128xf32>,
      %get3A_1070 = arith.constant 1536 : index
      %get3A_1071 = arith.constant 0 : index
      %get3A_1072 = vector.load %arg1[%get3A_1070, %get3A_1071] : memref<10240x128xf32, #tpu.memory_space<vmem>>, vector<512x128xf32>
      %mul3A_1073 = arith.mulf %get3A_1072, %get3A_1072 : vector<512x128xf32>
      %reduce_sum3A_1074 = arith.constant dense<0.000000e+00> : vector<512xf32>
      %reduce_sum3A_1075 = vector.multi_reduction <add>, %mul3A_1073, %reduce_sum3A_1074 [1] : vector<512x128xf32> to vector<512xf32>
      %broadcast_in_dim3A_1076 = vector.shape_cast %reduce_sum3A_1075 : vector<512xf32> to vector<512x1xf32>
      %sqrt3A_1077 = math.sqrt %broadcast_in_dim3A_1076 : vector<512x1xf32>
      %max3A_1078 = arith.constant 9.99999996E-13 : f32
      %max3A_1079 = vector.broadcast %max3A_1078 : f32 to vector<512x1xf32>
      %max3A_1080 = arith.maximumf %sqrt3A_1077, %max3A_1079 : vector<512x1xf32>
      %div3A_1081 = vector.broadcast %max3A_1080 : vector<512x1xf32> to vector<512x128xf32>
      %div3A_1082 = arith.divf %get3A_1072, %div3A_1081 : vector<512x128xf32>
      %swap3A_1083 = arith.constant 1536 : index
      %swap3A_1084 = arith.constant 0 : index
      %swap3A_1085 = vector.load %arg4[%swap3A_1083, %swap3A_1084] : memref<10240x128xf32, #tpu.memory_space<vmem>>, vector<512x128xf32>
      tpu.vector_store %arg4[%swap3A_1083, %swap3A_1084], %div3A_1082 {strides = array<i32>} : memref<10240x128xf32, #tpu.memory_space<vmem>>, vector<512x128xf32>,
      %get3A_1086 = arith.constant 2048 : index
      %get3A_1087 = arith.constant 0 : index
      %get3A_1088 = vector.load %arg1[%get3A_1086, %get3A_1087] : memref<10240x128xf32, #tpu.memory_space<vmem>>, vector<512x128xf32>
      %mul3A_1089 = arith.mulf %get3A_1088, %get3A_1088 : vector<512x128xf32>
      %reduce_sum3A_1090 = arith.constant dense<0.000000e+00> : vector<512xf32>
      %reduce_sum3A_1091 = vector.multi_reduction <add>, %mul3A_1089, %reduce_sum3A_1090 [1] : vector<512x128xf32> to vector<512xf32>
      %broadcast_in_dim3A_1092 = vector.shape_cast %reduce_sum3A_1091 : vector<512xf32> to vector<512x1xf32>
      %sqrt3A_1093 = math.sqrt %broadcast_in_dim3A_1092 : vector<512x1xf32>
      %max3A_1094 = arith.constant 9.99999996E-13 : f32
      %max3A_1095 = vector.broadcast %max3A_1094 : f32 to vector<512x1xf32>
      %max3A_1096 = arith.maximumf %sqrt3A_1093, %max3A_1095 : vector<512x1xf32>
      %div3A_1097 = vector.broadcast %max3A_1096 : vector<512x1xf32> to vector<512x128xf32>
      %div3A_1098 = arith.divf %get3A_1088, %div3A_1097 : vector<512x128xf32>
      %swap3A_1099 = arith.constant 2048 : index
      %swap3A_1100 = arith.constant 0 : index
      %swap3A_1101 = vector.load %arg4[%swap3A_1099, %swap3A_1100] : memref<10240x128xf32, #tpu.memory_space<vmem>>, vector<512x128xf32>
      tpu.vector_store %arg4[%swap3A_1099, %swap3A_1100], %div3A_1098 {strides = array<i32>} : memref<10240x128xf32, #tpu.memory_space<vmem>>, vector<512x128xf32>,
      %get3A_1102 = arith.constant 2560 : index
      %get3A_1103 = arith.constant 0 : index
      %get3A_1104 = vector.load %arg1[%get3A_1102, %get3A_1103] : memref<10240x128xf32, #tpu.memory_space<vmem>>, vector<512x128xf32>
      %mul3A_1105 = arith.mulf %get3A_1104, %get3A_1104 : vector<512x128xf32>
      %reduce_sum3A_1106 = arith.constant dense<0.000000e+00> : vector<512xf32>
      %reduce_sum3A_1107 = vector.multi_reduction <add>, %mul3A_1105, %reduce_sum3A_1106 [1] : vector<512x128xf32> to vector<512xf32>
      %broadcast_in_dim3A_1108 = vector.shape_cast %reduce_sum3A_1107 : vector<512xf32> to vector<512x1xf32>
      %sqrt3A_1109 = math.sqrt %broadcast_in_dim3A_1108 : vector<512x1xf32>
      %max3A_1110 = arith.constant 9.99999996E-13 : f32
      %max3A_1111 = vector.broadcast %max3A_1110 : f32 to vector<512x1xf32>
      %max3A_1112 = arith.maximumf %sqrt3A_1109, %max3A_1111 : vector<512x1xf32>
      %div3A_1113 = vector.broadcast %max3A_1112 : vector<512x1xf32> to vector<512x128xf32>
      %div3A_1114 = arith.divf %get3A_1104, %div3A_1113 : vector<512x128xf32>
      %swap3A_1115 = arith.constant 2560 : index
      %swap3A_1116 = arith.constant 0 : index
      %swap3A_1117 = vector.load %arg4[%swap3A_1115, %swap3A_1116] : memref<10240x128xf32, #tpu.memory_space<vmem>>, vector<512x128xf32>
      tpu.vector_store %arg4[%swap3A_1115, %swap3A_1116], %div3A_1114 {strides = array<i32>} : memref<10240x128xf32, #tpu.memory_space<vmem>>, vector<512x128xf32>,
      %get3A_1118 = arith.constant 3072 : index
      %get3A_1119 = arith.constant 0 : index
      %get3A_1120 = vector.load %arg1[%get3A_1118, %get3A_1119] : memref<10240x128xf32, #tpu.memory_space<vmem>>, vector<512x128xf32>
      %mul3A_1121 = arith.mulf %get3A_1120, %get3A_1120 : vector<512x128xf32>
      %reduce_sum3A_1122 = arith.constant dense<0.000000e+00> : vector<512xf32>
      %reduce_sum3A_1123 = vector.multi_reduction <add>, %mul3A_1121, %reduce_sum3A_1122 [1] : vector<512x128xf32> to vector<512xf32>
      %broadcast_in_dim3A_1124 = vector.shape_cast %reduce_sum3A_1123 : vector<512xf32> to vector<512x1xf32>
      %sqrt3A_1125 = math.sqrt %broadcast_in_dim3A_1124 : vector<512x1xf32>
      %max3A_1126 = arith.constant 9.99999996E-13 : f32
      %max3A_1127 = vector.broadcast %max3A_1126 : f32 to vector<512x1xf32>
      %max3A_1128 = arith.maximumf %sqrt3A_1125, %max3A_1127 : vector<512x1xf32>
      %div3A_1129 = vector.broadcast %max3A_1128 : vector<512x1xf32> to vector<512x128xf32>
      %div3A_1130 = arith.divf %get3A_1120, %div3A_1129 : vector<512x128xf32>
      %swap3A_1131 = arith.constant 3072 : index
      %swap3A_1132 = arith.constant 0 : index
      %swap3A_1133 = vector.load %arg4[%swap3A_1131, %swap3A_1132] : memref<10240x128xf32, #tpu.memory_space<vmem>>, vector<512x128xf32>
      tpu.vector_store %arg4[%swap3A_1131, %swap3A_1132], %div3A_1130 {strides = array<i32>} : memref<10240x128xf32, #tpu.memory_space<vmem>>, vector<512x128xf32>,
      %get3A_1134 = arith.constant 3584 : index
      %get3A_1135 = arith.constant 0 : index
      %get3A_1136 = vector.load %arg1[%get3A_1134, %get3A_1135] : memref<10240x128xf32, #tpu.memory_space<vmem>>, vector<512x128xf32>
      %mul3A_1137 = arith.mulf %get3A_1136, %get3A_1136 : vector<512x128xf32>
      %reduce_sum3A_1138 = arith.constant dense<0.000000e+00> : vector<512xf32>
      %reduce_sum3A_1139 = vector.multi_reduction <add>, %mul3A_1137, %reduce_sum3A_1138 [1] : vector<512x128xf32> to vector<512xf32>
      %broadcast_in_dim3A_1140 = vector.shape_cast %reduce_sum3A_1139 : vector<512xf32> to vector<512x1xf32>
      %sqrt3A_1141 = math.sqrt %broadcast_in_dim3A_1140 : vector<512x1xf32>
      %max3A_1142 = arith.constant 9.99999996E-13 : f32
      %max3A_1143 = vector.broadcast %max3A_1142 : f32 to vector<512x1xf32>
      %max3A_1144 = arith.maximumf %sqrt3A_1141, %max3A_1143 : vector<512x1xf32>
      %div3A_1145 = vector.broadcast %max3A_1144 : vector<512x1xf32> to vector<512x128xf32>
      %div3A_1146 = arith.divf %get3A_1136, %div3A_1145 : vector<512x128xf32>
      %swap3A_1147 = arith.constant 3584 : index
      %swap3A_1148 = arith.constant 0 : index
      %swap3A_1149 = vector.load %arg4[%swap3A_1147, %swap3A_1148] : memref<10240x128xf32, #tpu.memory_space<vmem>>, vector<512x128xf32>
      tpu.vector_store %arg4[%swap3A_1147, %swap3A_1148], %div3A_1146 {strides = array<i32>} : memref<10240x128xf32, #tpu.memory_space<vmem>>, vector<512x128xf32>,
      %get3A_1150 = arith.constant 4096 : index
      %get3A_1151 = arith.constant 0 : index
      %get3A_1152 = vector.load %arg1[%get3A_1150, %get3A_1151] : memref<10240x128xf32, #tpu.memory_space<vmem>>, vector<512x128xf32>
      %mul3A_1153 = arith.mulf %get3A_1152, %get3A_1152 : vector<512x128xf32>
      %reduce_sum3A_1154 = arith.constant dense<0.000000e+00> : vector<512xf32>
      %reduce_sum3A_1155 = vector.multi_reduction <add>, %mul3A_1153, %reduce_sum3A_1154 [1] : vector<512x128xf32> to vector<512xf32>
      %broadcast_in_dim3A_1156 = vector.shape_cast %reduce_sum3A_1155 : vector<512xf32> to vector<512x1xf32>
      %sqrt3A_1157 = math.sqrt %broadcast_in_dim3A_1156 : vector<512x1xf32>
      %max3A_1158 = arith.constant 9.99999996E-13 : f32
      %max3A_1159 = vector.broadcast %max3A_1158 : f32 to vector<512x1xf32>
      %max3A_1160 = arith.maximumf %sqrt3A_1157, %max3A_1159 : vector<512x1xf32>
      %div3A_1161 = vector.broadcast %max3A_1160 : vector<512x1xf32> to vector<512x128xf32>
      %div3A_1162 = arith.divf %get3A_1152, %div3A_1161 : vector<512x128xf32>
      %swap3A_1163 = arith.constant 4096 : index
      %swap3A_1164 = arith.constant 0 : index
      %swap3A_1165 = vector.load %arg4[%swap3A_1163, %swap3A_1164] : memref<10240x128xf32, #tpu.memory_space<vmem>>, vector<512x128xf32>
      tpu.vector_store %arg4[%swap3A_1163, %swap3A_1164], %div3A_1162 {strides = array<i32>} : memref<10240x128xf32, #tpu.memory_space<vmem>>, vector<512x128xf32>,
      %get3A_1166 = arith.constant 4608 : index
      %get3A_1167 = arith.constant 0 : index
      %get3A_1168 = vector.load %arg1[%get3A_1166, %get3A_1167] : memref<10240x128xf32, #tpu.memory_space<vmem>>, vector<512x128xf32>
      %mul3A_1169 = arith.mulf %get3A_1168, %get3A_1168 : vector<512x128xf32>
      %reduce_sum3A_1170 = arith.constant dense<0.000000e+00> : vector<512xf32>
      %reduce_sum3A_1171 = vector.multi_reduction <add>, %mul3A_1169, %reduce_sum3A_1170 [1] : vector<512x128xf32> to vector<512xf32>
      %broadcast_in_dim3A_1172 = vector.shape_cast %reduce_sum3A_1171 : vector<512xf32> to vector<512x1xf32>
      %sqrt3A_1173 = math.sqrt %broadcast_in_dim3A_1172 : vector<512x1xf32>
      %max3A_1174 = arith.constant 9.99999996E-13 : f32
      %max3A_1175 = vector.broadcast %max3A_1174 : f32 to vector<512x1xf32>
      %max3A_1176 = arith.maximumf %sqrt3A_1173, %max3A_1175 : vector<512x1xf32>
      %div3A_1177 = vector.broadcast %max3A_1176 : vector<512x1xf32> to vector<512x128xf32>
      %div3A_1178 = arith.divf %get3A_1168, %div3A_1177 : vector<512x128xf32>
      %swap3A_1179 = arith.constant 4608 : index
      %swap3A_1180 = arith.constant 0 : index
      %swap3A_1181 = vector.load %arg4[%swap3A_1179, %swap3A_1180] : memref<10240x128xf32, #tpu.memory_space<vmem>>, vector<512x128xf32>
      tpu.vector_store %arg4[%swap3A_1179, %swap3A_1180], %div3A_1178 {strides = array<i32>} : memref<10240x128xf32, #tpu.memory_space<vmem>>, vector<512x128xf32>,
      %get3A_1182 = arith.constant 5120 : index
      %get3A_1183 = arith.constant 0 : index
      %get3A_1184 = vector.load %arg1[%get3A_1182, %get3A_1183] : memref<10240x128xf32, #tpu.memory_space<vmem>>, vector<512x128xf32>
      %mul3A_1185 = arith.mulf %get3A_1184, %get3A_1184 : vector<512x128xf32>
      %reduce_sum3A_1186 = arith.constant dense<0.000000e+00> : vector<512xf32>
      %reduce_sum3A_1187 = vector.multi_reduction <add>, %mul3A_1185, %reduce_sum3A_1186 [1] : vector<512x128xf32> to vector<512xf32>
      %broadcast_in_dim3A_1188 = vector.shape_cast %reduce_sum3A_1187 : vector<512xf32> to vector<512x1xf32>
      %sqrt3A_1189 = math.sqrt %broadcast_in_dim3A_1188 : vector<512x1xf32>
      %max3A_1190 = arith.constant 9.99999996E-13 : f32
      %max3A_1191 = vector.broadcast %max3A_1190 : f32 to vector<512x1xf32>
      %max3A_1192 = arith.maximumf %sqrt3A_1189, %max3A_1191 : vector<512x1xf32>
      %div3A_1193 = vector.broadcast %max3A_1192 : vector<512x1xf32> to vector<512x128xf32>
      %div3A_1194 = arith.divf %get3A_1184, %div3A_1193 : vector<512x128xf32>
      %swap3A_1195 = arith.constant 5120 : index
      %swap3A_1196 = arith.constant 0 : index
      %swap3A_1197 = vector.load %arg4[%swap3A_1195, %swap3A_1196] : memref<10240x128xf32, #tpu.memory_space<vmem>>, vector<512x128xf32>
      tpu.vector_store %arg4[%swap3A_1195, %swap3A_1196], %div3A_1194 {strides = array<i32>} : memref<10240x128xf32, #tpu.memory_space<vmem>>, vector<512x128xf32>,
      %get3A_1198 = arith.constant 5632 : index
      %get3A_1199 = arith.constant 0 : index
      %get3A_1200 = vector.load %arg1[%get3A_1198, %get3A_1199] : memref<10240x128xf32, #tpu.memory_space<vmem>>, vector<512x128xf32>
      %mul3A_1201 = arith.mulf %get3A_1200, %get3A_1200 : vector<512x128xf32>
      %reduce_sum3A_1202 = arith.constant dense<0.000000e+00> : vector<512xf32>
      %reduce_sum3A_1203 = vector.multi_reduction <add>, %mul3A_1201, %reduce_sum3A_1202 [1] : vector<512x128xf32> to vector<512xf32>
      %broadcast_in_dim3A_1204 = vector.shape_cast %reduce_sum3A_1203 : vector<512xf32> to vector<512x1xf32>
      %sqrt3A_1205 = math.sqrt %broadcast_in_dim3A_1204 : vector<512x1xf32>
      %max3A_1206 = arith.constant 9.99999996E-13 : f32
      %max3A_1207 = vector.broadcast %max3A_1206 : f32 to vector<512x1xf32>
      %max3A_1208 = arith.maximumf %sqrt3A_1205, %max3A_1207 : vector<512x1xf32>
      %div3A_1209 = vector.broadcast %max3A_1208 : vector<512x1xf32> to vector<512x128xf32>
      %div3A_1210 = arith.divf %get3A_1200, %div3A_1209 : vector<512x128xf32>
      %swap3A_1211 = arith.constant 5632 : index
      %swap3A_1212 = arith.constant 0 : index
      %swap3A_1213 = vector.load %arg4[%swap3A_1211, %swap3A_1212] : memref<10240x128xf32, #tpu.memory_space<vmem>>, vector<512x128xf32>
      tpu.vector_store %arg4[%swap3A_1211, %swap3A_1212], %div3A_1210 {strides = array<i32>} : memref<10240x128xf32, #tpu.memory_space<vmem>>, vector<512x128xf32>,
      %get3A_1214 = arith.constant 6144 : index
      %get3A_1215 = arith.constant 0 : index
      %get3A_1216 = vector.load %arg1[%get3A_1214, %get3A_1215] : memref<10240x128xf32, #tpu.memory_space<vmem>>, vector<512x128xf32>
      %mul3A_1217 = arith.mulf %get3A_1216, %get3A_1216 : vector<512x128xf32>
      %reduce_sum3A_1218 = arith.constant dense<0.000000e+00> : vector<512xf32>
      %reduce_sum3A_1219 = vector.multi_reduction <add>, %mul3A_1217, %reduce_sum3A_1218 [1] : vector<512x128xf32> to vector<512xf32>
      %broadcast_in_dim3A_1220 = vector.shape_cast %reduce_sum3A_1219 : vector<512xf32> to vector<512x1xf32>
      %sqrt3A_1221 = math.sqrt %broadcast_in_dim3A_1220 : vector<512x1xf32>
      %max3A_1222 = arith.constant 9.99999996E-13 : f32
      %max3A_1223 = vector.broadcast %max3A_1222 : f32 to vector<512x1xf32>
      %max3A_1224 = arith.maximumf %sqrt3A_1221, %max3A_1223 : vector<512x1xf32>
      %div3A_1225 = vector.broadcast %max3A_1224 : vector<512x1xf32> to vector<512x128xf32>
      %div3A_1226 = arith.divf %get3A_1216, %div3A_1225 : vector<512x128xf32>
      %swap3A_1227 = arith.constant 6144 : index
      %swap3A_1228 = arith.constant 0 : index
      %swap3A_1229 = vector.load %arg4[%swap3A_1227, %swap3A_1228] : memref<10240x128xf32, #tpu.memory_space<vmem>>, vector<512x128xf32>
      tpu.vector_store %arg4[%swap3A_1227, %swap3A_1228], %div3A_1226 {strides = array<i32>} : memref<10240x128xf32, #tpu.memory_space<vmem>>, vector<512x128xf32>,
      %get3A_1230 = arith.constant 6656 : index
      %get3A_1231 = arith.constant 0 : index
      %get3A_1232 = vector.load %arg1[%get3A_1230, %get3A_1231] : memref<10240x128xf32, #tpu.memory_space<vmem>>, vector<512x128xf32>
      %mul3A_1233 = arith.mulf %get3A_1232, %get3A_1232 : vector<512x128xf32>
      %reduce_sum3A_1234 = arith.constant dense<0.000000e+00> : vector<512xf32>
      %reduce_sum3A_1235 = vector.multi_reduction <add>, %mul3A_1233, %reduce_sum3A_1234 [1] : vector<512x128xf32> to vector<512xf32>
      %broadcast_in_dim3A_1236 = vector.shape_cast %reduce_sum3A_1235 : vector<512xf32> to vector<512x1xf32>
      %sqrt3A_1237 = math.sqrt %broadcast_in_dim3A_1236 : vector<512x1xf32>
      %max3A_1238 = arith.constant 9.99999996E-13 : f32
      %max3A_1239 = vector.broadcast %max3A_1238 : f32 to vector<512x1xf32>
      %max3A_1240 = arith.maximumf %sqrt3A_1237, %max3A_1239 : vector<512x1xf32>
      %div3A_1241 = vector.broadcast %max3A_1240 : vector<512x1xf32> to vector<512x128xf32>
      %div3A_1242 = arith.divf %get3A_1232, %div3A_1241 : vector<512x128xf32>
      %swap3A_1243 = arith.constant 6656 : index
      %swap3A_1244 = arith.constant 0 : index
      %swap3A_1245 = vector.load %arg4[%swap3A_1243, %swap3A_1244] : memref<10240x128xf32, #tpu.memory_space<vmem>>, vector<512x128xf32>
      tpu.vector_store %arg4[%swap3A_1243, %swap3A_1244], %div3A_1242 {strides = array<i32>} : memref<10240x128xf32, #tpu.memory_space<vmem>>, vector<512x128xf32>,
      %get3A_1246 = arith.constant 7168 : index
      %get3A_1247 = arith.constant 0 : index
      %get3A_1248 = vector.load %arg1[%get3A_1246, %get3A_1247] : memref<10240x128xf32, #tpu.memory_space<vmem>>, vector<512x128xf32>
      %mul3A_1249 = arith.mulf %get3A_1248, %get3A_1248 : vector<512x128xf32>
      %reduce_sum3A_1250 = arith.constant dense<0.000000e+00> : vector<512xf32>
      %reduce_sum3A_1251 = vector.multi_reduction <add>, %mul3A_1249, %reduce_sum3A_1250 [1] : vector<512x128xf32> to vector<512xf32>
      %broadcast_in_dim3A_1252 = vector.shape_cast %reduce_sum3A_1251 : vector<512xf32> to vector<512x1xf32>
      %sqrt3A_1253 = math.sqrt %broadcast_in_dim3A_1252 : vector<512x1xf32>
      %max3A_1254 = arith.constant 9.99999996E-13 : f32
      %max3A_1255 = vector.broadcast %max3A_1254 : f32 to vector<512x1xf32>
      %max3A_1256 = arith.maximumf %sqrt3A_1253, %max3A_1255 : vector<512x1xf32>
      %div3A_1257 = vector.broadcast %max3A_1256 : vector<512x1xf32> to vector<512x128xf32>
      %div3A_1258 = arith.divf %get3A_1248, %div3A_1257 : vector<512x128xf32>
      %swap3A_1259 = arith.constant 7168 : index
      %swap3A_1260 = arith.constant 0 : index
      %swap3A_1261 = vector.load %arg4[%swap3A_1259, %swap3A_1260] : memref<10240x128xf32, #tpu.memory_space<vmem>>, vector<512x128xf32>
      tpu.vector_store %arg4[%swap3A_1259, %swap3A_1260], %div3A_1258 {strides = array<i32>} : memref<10240x128xf32, #tpu.memory_space<vmem>>, vector<512x128xf32>,
      %get3A_1262 = arith.constant 7680 : index
      %get3A_1263 = arith.constant 0 : index
      %get3A_1264 = vector.load %arg1[%get3A_1262, %get3A_1263] : memref<10240x128xf32, #tpu.memory_space<vmem>>, vector<512x128xf32>
      %mul3A_1265 = arith.mulf %get3A_1264, %get3A_1264 : vector<512x128xf32>
      %reduce_sum3A_1266 = arith.constant dense<0.000000e+00> : vector<512xf32>
      %reduce_sum3A_1267 = vector.multi_reduction <add>, %mul3A_1265, %reduce_sum3A_1266 [1] : vector<512x128xf32> to vector<512xf32>
      %broadcast_in_dim3A_1268 = vector.shape_cast %reduce_sum3A_1267 : vector<512xf32> to vector<512x1xf32>
      %sqrt3A_1269 = math.sqrt %broadcast_in_dim3A_1268 : vector<512x1xf32>
      %max3A_1270 = arith.constant 9.99999996E-13 : f32
      %max3A_1271 = vector.broadcast %max3A_1270 : f32 to vector<512x1xf32>
      %max3A_1272 = arith.maximumf %sqrt3A_1269, %max3A_1271 : vector<512x1xf32>
      %div3A_1273 = vector.broadcast %max3A_1272 : vector<512x1xf32> to vector<512x128xf32>
      %div3A_1274 = arith.divf %get3A_1264, %div3A_1273 : vector<512x128xf32>
      %swap3A_1275 = arith.constant 7680 : index
      %swap3A_1276 = arith.constant 0 : index
      %swap3A_1277 = vector.load %arg4[%swap3A_1275, %swap3A_1276] : memref<10240x128xf32, #tpu.memory_space<vmem>>, vector<512x128xf32>
      tpu.vector_store %arg4[%swap3A_1275, %swap3A_1276], %div3A_1274 {strides = array<i32>} : memref<10240x128xf32, #tpu.memory_space<vmem>>, vector<512x128xf32>,
      %get3A_1278 = arith.constant 8192 : index
      %get3A_1279 = arith.constant 0 : index
      %get3A_1280 = vector.load %arg1[%get3A_1278, %get3A_1279] : memref<10240x128xf32, #tpu.memory_space<vmem>>, vector<512x128xf32>
      %mul3A_1281 = arith.mulf %get3A_1280, %get3A_1280 : vector<512x128xf32>
      %reduce_sum3A_1282 = arith.constant dense<0.000000e+00> : vector<512xf32>
      %reduce_sum3A_1283 = vector.multi_reduction <add>, %mul3A_1281, %reduce_sum3A_1282 [1] : vector<512x128xf32> to vector<512xf32>
      %broadcast_in_dim3A_1284 = vector.shape_cast %reduce_sum3A_1283 : vector<512xf32> to vector<512x1xf32>
      %sqrt3A_1285 = math.sqrt %broadcast_in_dim3A_1284 : vector<512x1xf32>
      %max3A_1286 = arith.constant 9.99999996E-13 : f32
      %max3A_1287 = vector.broadcast %max3A_1286 : f32 to vector<512x1xf32>
      %max3A_1288 = arith.maximumf %sqrt3A_1285, %max3A_1287 : vector<512x1xf32>
      %div3A_1289 = vector.broadcast %max3A_1288 : vector<512x1xf32> to vector<512x128xf32>
      %div3A_1290 = arith.divf %get3A_1280, %div3A_1289 : vector<512x128xf32>
      %swap3A_1291 = arith.constant 8192 : index
      %swap3A_1292 = arith.constant 0 : index
      %swap3A_1293 = vector.load %arg4[%swap3A_1291, %swap3A_1292] : memref<10240x128xf32, #tpu.memory_space<vmem>>, vector<512x128xf32>
      tpu.vector_store %arg4[%swap3A_1291, %swap3A_1292], %div3A_1290 {strides = array<i32>} : memref<10240x128xf32, #tpu.memory_space<vmem>>, vector<512x128xf32>,
      %get3A_1294 = arith.constant 8704 : index
      %get3A_1295 = arith.constant 0 : index
      %get3A_1296 = vector.load %arg1[%get3A_1294, %get3A_1295] : memref<10240x128xf32, #tpu.memory_space<vmem>>, vector<512x128xf32>
      %mul3A_1297 = arith.mulf %get3A_1296, %get3A_1296 : vector<512x128xf32>
      %reduce_sum3A_1298 = arith.constant dense<0.000000e+00> : vector<512xf32>
      %reduce_sum3A_1299 = vector.multi_reduction <add>, %mul3A_1297, %reduce_sum3A_1298 [1] : vector<512x128xf32> to vector<512xf32>
      %broadcast_in_dim3A_1300 = vector.shape_cast %reduce_sum3A_1299 : vector<512xf32> to vector<512x1xf32>
      %sqrt3A_1301 = math.sqrt %broadcast_in_dim3A_1300 : vector<512x1xf32>
      %max3A_1302 = arith.constant 9.99999996E-13 : f32
      %max3A_1303 = vector.broadcast %max3A_1302 : f32 to vector<512x1xf32>
      %max3A_1304 = arith.maximumf %sqrt3A_1301, %max3A_1303 : vector<512x1xf32>
      %div3A_1305 = vector.broadcast %max3A_1304 : vector<512x1xf32> to vector<512x128xf32>
      %div3A_1306 = arith.divf %get3A_1296, %div3A_1305 : vector<512x128xf32>
      %swap3A_1307 = arith.constant 8704 : index
      %swap3A_1308 = arith.constant 0 : index
      %swap3A_1309 = vector.load %arg4[%swap3A_1307, %swap3A_1308] : memref<10240x128xf32, #tpu.memory_space<vmem>>, vector<512x128xf32>
      tpu.vector_store %arg4[%swap3A_1307, %swap3A_1308], %div3A_1306 {strides = array<i32>} : memref<10240x128xf32, #tpu.memory_space<vmem>>, vector<512x128xf32>,
      %get3A_1310 = arith.constant 9216 : index
      %get3A_1311 = arith.constant 0 : index
      %get3A_1312 = vector.load %arg1[%get3A_1310, %get3A_1311] : memref<10240x128xf32, #tpu.memory_space<vmem>>, vector<512x128xf32>
      %mul3A_1313 = arith.mulf %get3A_1312, %get3A_1312 : vector<512x128xf32>
      %reduce_sum3A_1314 = arith.constant dense<0.000000e+00> : vector<512xf32>
      %reduce_sum3A_1315 = vector.multi_reduction <add>, %mul3A_1313, %reduce_sum3A_1314 [1] : vector<512x128xf32> to vector<512xf32>
      %broadcast_in_dim3A_1316 = vector.shape_cast %reduce_sum3A_1315 : vector<512xf32> to vector<512x1xf32>
      %sqrt3A_1317 = math.sqrt %broadcast_in_dim3A_1316 : vector<512x1xf32>
      %max3A_1318 = arith.constant 9.99999996E-13 : f32
      %max3A_1319 = vector.broadcast %max3A_1318 : f32 to vector<512x1xf32>
      %max3A_1320 = arith.maximumf %sqrt3A_1317, %max3A_1319 : vector<512x1xf32>
      %div3A_1321 = vector.broadcast %max3A_1320 : vector<512x1xf32> to vector<512x128xf32>
      %div3A_1322 = arith.divf %get3A_1312, %div3A_1321 : vector<512x128xf32>
      %swap3A_1323 = arith.constant 9216 : index
      %swap3A_1324 = arith.constant 0 : index
      %swap3A_1325 = vector.load %arg4[%swap3A_1323, %swap3A_1324] : memref<10240x128xf32, #tpu.memory_space<vmem>>, vector<512x128xf32>
      tpu.vector_store %arg4[%swap3A_1323, %swap3A_1324], %div3A_1322 {strides = array<i32>} : memref<10240x128xf32, #tpu.memory_space<vmem>>, vector<512x128xf32>,
      %get3A_1326 = arith.constant 9728 : index
      %get3A_1327 = arith.constant 0 : index
      %get3A_1328 = vector.load %arg1[%get3A_1326, %get3A_1327] : memref<10240x128xf32, #tpu.memory_space<vmem>>, vector<512x128xf32>
      %mul3A_1329 = arith.mulf %get3A_1328, %get3A_1328 : vector<512x128xf32>
      %reduce_sum3A_1330 = arith.constant dense<0.000000e+00> : vector<512xf32>
      %reduce_sum3A_1331 = vector.multi_reduction <add>, %mul3A_1329, %reduce_sum3A_1330 [1] : vector<512x128xf32> to vector<512xf32>
      %broadcast_in_dim3A_1332 = vector.shape_cast %reduce_sum3A_1331 : vector<512xf32> to vector<512x1xf32>
      %sqrt3A_1333 = math.sqrt %broadcast_in_dim3A_1332 : vector<512x1xf32>
      %max3A_1334 = arith.constant 9.99999996E-13 : f32
      %max3A_1335 = vector.broadcast %max3A_1334 : f32 to vector<512x1xf32>
      %max3A_1336 = arith.maximumf %sqrt3A_1333, %max3A_1335 : vector<512x1xf32>
      %div3A_1337 = vector.broadcast %max3A_1336 : vector<512x1xf32> to vector<512x128xf32>
      %div3A_1338 = arith.divf %get3A_1328, %div3A_1337 : vector<512x128xf32>
      %swap3A_1339 = arith.constant 9728 : index
      %swap3A_1340 = arith.constant 0 : index
      %swap3A_1341 = vector.load %arg4[%swap3A_1339, %swap3A_1340] : memref<10240x128xf32, #tpu.memory_space<vmem>>, vector<512x128xf32>
      tpu.vector_store %arg4[%swap3A_1339, %swap3A_1340], %div3A_1338 {strides = array<i32>} : memref<10240x128xf32, #tpu.memory_space<vmem>>, vector<512x128xf32>,
    } else {
    }
    %get3A = arith.constant 0 : index
    %get3A_2 = arith.constant 0 : index
    %get3A_3 = vector.load %arg2[%get3A, %get3A_2] : memref<512x128xf32, #tpu.memory_space<vmem>>, vector<512x128xf32>
    %mul3A = arith.mulf %get3A_3, %get3A_3 : vector<512x128xf32>
    %reduce_sum3A = arith.constant dense<0.000000e+00> : vector<512xf32>
    %reduce_sum3A_4 = vector.multi_reduction <add>, %mul3A, %reduce_sum3A [1] : vector<512x128xf32> to vector<512xf32>
    %broadcast_in_dim3A = vector.shape_cast %reduce_sum3A_4 : vector<512xf32> to vector<512x1xf32>
    %sqrt3A = math.sqrt %broadcast_in_dim3A : vector<512x1xf32>
    %max3A = arith.constant 9.99999996E-13 : f32
    %max3A_5 = vector.broadcast %max3A : f32 to vector<512x1xf32>
    %max3A_6 = arith.maximumf %sqrt3A, %max3A_5 : vector<512x1xf32>
    %div3A = vector.broadcast %max3A_6 : vector<512x1xf32> to vector<512x128xf32>
    %div3A_7 = arith.divf %get3A_3, %div3A : vector<512x128xf32>
    %iota3A = tpu.iota {dimensions = array<i32: 1>} : vector<512x1024xi32>
    %get3A_8 = arith.constant 0 : index
    %get3A_9 = arith.constant 0 : index
    %get3A_10 = vector.load %arg4[%get3A_8, %get3A_9] : memref<10240x128xf32, #tpu.memory_space<vmem>>, vector<1024x128xf32>
    %dot_general3A = arith.constant dense<0.000000e+00> : vector<512x1024xf32>
    %dot_general3A_11 = tpu.matmul %div3A_7, %get3A_10, %dot_general3A {dimension_numbers = #tpu.dot_dimension_numbers<[1], [1], [0], [0], [0, 0, 1, 0], [], []>, transpose_lhs_hint = false} : vector<512x128xf32>, vector<1024x128xf32>, vector<512x1024xf32> -> vector<512x1024xf32>
    %reduce_max3A = arith.constant dense<0xFF800000> : vector<512xf32>
    %reduce_max3A_12 = vector.multi_reduction <maximumf>, %dot_general3A_11, %reduce_max3A [1] : vector<512x1024xf32> to vector<512xf32>
    %broadcast_in_dim3A_13 = vector.shape_cast %reduce_max3A_12 : vector<512xf32> to vector<512x1xf32>
    %eq3A_14 = vector.broadcast %broadcast_in_dim3A_13 : vector<512x1xf32> to vector<512x1024xf32>
    %eq3A_15 = arith.cmpf oeq, %dot_general3A_11, %eq3A_14 : vector<512x1024xf32>
    %jit3A = arith.constant 1073741824 : i32
    %broadcast_in_dim3A_16 = vector.broadcast %jit3A : i32 to vector<512x1024xi32>
    %select_n3A = arith.select %eq3A_15, %iota3A, %broadcast_in_dim3A_16 : vector<512x1024xi1>, vector<512x1024xi32>
    %reduce_min3A = arith.constant dense<2147483647> : vector<512xi32>
    %reduce_min3A_17 = vector.multi_reduction <minsi>, %select_n3A, %reduce_min3A [1] : vector<512x1024xi32> to vector<512xi32>
    %broadcast_in_dim3A_18 = vector.shape_cast %reduce_min3A_17 : vector<512xi32> to vector<512x1xi32>
    %eq3A_19 = vector.broadcast %broadcast_in_dim3A_18 : vector<512x1xi32> to vector<512x1024xi32>
    %eq3A_20 = arith.cmpi eq, %iota3A, %eq3A_19 : vector<512x1024xi32>
    %jit3A_21 = arith.constant 0xFF800000 : f32
    %broadcast_in_dim3A_22 = vector.broadcast %jit3A_21 : f32 to vector<512x1024xf32>
    %select_n3A_23 = arith.select %eq3A_20, %broadcast_in_dim3A_22, %dot_general3A_11 : vector<512x1024xi1>, vector<512x1024xf32>
    %reduce_max3A_24 = arith.constant dense<0xFF800000> : vector<512xf32>
    %reduce_max3A_25 = vector.multi_reduction <maximumf>, %select_n3A_23, %reduce_max3A_24 [1] : vector<512x1024xf32> to vector<512xf32>
    %broadcast_in_dim3A_26 = vector.shape_cast %reduce_max3A_25 : vector<512xf32> to vector<512x1xf32>
    %eq3A_27 = vector.broadcast %broadcast_in_dim3A_26 : vector<512x1xf32> to vector<512x1024xf32>
    %eq3A_28 = arith.cmpf oeq, %select_n3A_23, %eq3A_27 : vector<512x1024xf32>
    %jit3A_29 = arith.constant 1073741824 : i32
    %broadcast_in_dim3A_30 = vector.broadcast %jit3A_29 : i32 to vector<512x1024xi32>
    %select_n3A_31 = arith.select %eq3A_28, %iota3A, %broadcast_in_dim3A_30 : vector<512x1024xi1>, vector<512x1024xi32>
    %reduce_min3A_32 = arith.constant dense<2147483647> : vector<512xi32>
    %reduce_min3A_33 = vector.multi_reduction <minsi>, %select_n3A_31, %reduce_min3A_32 [1] : vector<512x1024xi32> to vector<512xi32>
    %broadcast_in_dim3A_34 = vector.shape_cast %reduce_min3A_33 : vector<512xi32> to vector<512x1xi32>
    %eq3A_35 = vector.broadcast %broadcast_in_dim3A_34 : vector<512x1xi32> to vector<512x1024xi32>
    %eq3A_36 = arith.cmpi eq, %iota3A, %eq3A_35 : vector<512x1024xi32>
    %jit3A_37 = arith.constant 0xFF800000 : f32
    %broadcast_in_dim3A_38 = vector.broadcast %jit3A_37 : f32 to vector<512x1024xf32>
    %select_n3A_39 = arith.select %eq3A_36, %broadcast_in_dim3A_38, %select_n3A_23 : vector<512x1024xi1>, vector<512x1024xf32>
    %reduce_max3A_40 = arith.constant dense<0xFF800000> : vector<512xf32>
    %reduce_max3A_41 = vector.multi_reduction <maximumf>, %select_n3A_39, %reduce_max3A_40 [1] : vector<512x1024xf32> to vector<512xf32>
    %broadcast_in_dim3A_42 = vector.shape_cast %reduce_max3A_41 : vector<512xf32> to vector<512x1xf32>
    %eq3A_43 = vector.broadcast %broadcast_in_dim3A_42 : vector<512x1xf32> to vector<512x1024xf32>
    %eq3A_44 = arith.cmpf oeq, %select_n3A_39, %eq3A_43 : vector<512x1024xf32>
    %jit3A_45 = arith.constant 1073741824 : i32
    %broadcast_in_dim3A_46 = vector.broadcast %jit3A_45 : i32 to vector<512x1024xi32>
    %select_n3A_47 = arith.select %eq3A_44, %iota3A, %broadcast_in_dim3A_46 : vector<512x1024xi1>, vector<512x1024xi32>
    %reduce_min3A_48 = arith.constant dense<2147483647> : vector<512xi32>
    %reduce_min3A_49 = vector.multi_reduction <minsi>, %select_n3A_47, %reduce_min3A_48 [1] : vector<512x1024xi32> to vector<512xi32>
    %broadcast_in_dim3A_50 = vector.shape_cast %reduce_min3A_49 : vector<512xi32> to vector<512x1xi32>
    %add3A = arith.constant 0 : i32
    %add3A_51 = vector.broadcast %add3A : i32 to vector<512x1xi32>
    %add3A_52 = arith.addi %broadcast_in_dim3A_18, %add3A_51 : vector<512x1xi32>
    %add3A_53 = arith.constant 0 : i32
    %add3A_54 = vector.broadcast %add3A_53 : i32 to vector<512x1xi32>
    %add3A_55 = arith.addi %broadcast_in_dim3A_34, %add3A_54 : vector<512x1xi32>
    %add3A_56 = arith.constant 0 : i32
    %add3A_57 = vector.broadcast %add3A_56 : i32 to vector<512x1xi32>
    %add3A_58 = arith.addi %broadcast_in_dim3A_50, %add3A_57 : vector<512x1xi32>
    %get3A_59 = arith.constant 1024 : index
    %get3A_60 = arith.constant 0 : index
    %get3A_61 = vector.load %arg4[%get3A_59, %get3A_60] : memref<10240x128xf32, #tpu.memory_space<vmem>>, vector<1024x128xf32>
    %dot_general3A_62 = arith.constant dense<0.000000e+00> : vector<512x1024xf32>
    %dot_general3A_63 = tpu.matmul %div3A_7, %get3A_61, %dot_general3A_62 {dimension_numbers = #tpu.dot_dimension_numbers<[1], [1], [0], [0], [0, 0, 1, 0], [], []>, transpose_lhs_hint = false} : vector<512x128xf32>, vector<1024x128xf32>, vector<512x1024xf32> -> vector<512x1024xf32>
    %reduce_max3A_64 = arith.constant dense<0xFF800000> : vector<512xf32>
    %reduce_max3A_65 = vector.multi_reduction <maximumf>, %dot_general3A_63, %reduce_max3A_64 [1] : vector<512x1024xf32> to vector<512xf32>
    %broadcast_in_dim3A_66 = vector.shape_cast %reduce_max3A_65 : vector<512xf32> to vector<512x1xf32>
    %eq3A_67 = vector.broadcast %broadcast_in_dim3A_66 : vector<512x1xf32> to vector<512x1024xf32>
    %eq3A_68 = arith.cmpf oeq, %dot_general3A_63, %eq3A_67 : vector<512x1024xf32>
    %jit3A_69 = arith.constant 1073741824 : i32
    %broadcast_in_dim3A_70 = vector.broadcast %jit3A_69 : i32 to vector<512x1024xi32>
    %select_n3A_71 = arith.select %eq3A_68, %iota3A, %broadcast_in_dim3A_70 : vector<512x1024xi1>, vector<512x1024xi32>
    %reduce_min3A_72 = arith.constant dense<2147483647> : vector<512xi32>
    %reduce_min3A_73 = vector.multi_reduction <minsi>, %select_n3A_71, %reduce_min3A_72 [1] : vector<512x1024xi32> to vector<512xi32>
    %broadcast_in_dim3A_74 = vector.shape_cast %reduce_min3A_73 : vector<512xi32> to vector<512x1xi32>
    %eq3A_75 = vector.broadcast %broadcast_in_dim3A_74 : vector<512x1xi32> to vector<512x1024xi32>
    %eq3A_76 = arith.cmpi eq, %iota3A, %eq3A_75 : vector<512x1024xi32>
    %jit3A_77 = arith.constant 0xFF800000 : f32
    %broadcast_in_dim3A_78 = vector.broadcast %jit3A_77 : f32 to vector<512x1024xf32>
    %select_n3A_79 = arith.select %eq3A_76, %broadcast_in_dim3A_78, %dot_general3A_63 : vector<512x1024xi1>, vector<512x1024xf32>
    %reduce_max3A_80 = arith.constant dense<0xFF800000> : vector<512xf32>
    %reduce_max3A_81 = vector.multi_reduction <maximumf>, %select_n3A_79, %reduce_max3A_80 [1] : vector<512x1024xf32> to vector<512xf32>
    %broadcast_in_dim3A_82 = vector.shape_cast %reduce_max3A_81 : vector<512xf32> to vector<512x1xf32>
    %eq3A_83 = vector.broadcast %broadcast_in_dim3A_82 : vector<512x1xf32> to vector<512x1024xf32>
    %eq3A_84 = arith.cmpf oeq, %select_n3A_79, %eq3A_83 : vector<512x1024xf32>
    %jit3A_85 = arith.constant 1073741824 : i32
    %broadcast_in_dim3A_86 = vector.broadcast %jit3A_85 : i32 to vector<512x1024xi32>
    %select_n3A_87 = arith.select %eq3A_84, %iota3A, %broadcast_in_dim3A_86 : vector<512x1024xi1>, vector<512x1024xi32>
    %reduce_min3A_88 = arith.constant dense<2147483647> : vector<512xi32>
    %reduce_min3A_89 = vector.multi_reduction <minsi>, %select_n3A_87, %reduce_min3A_88 [1] : vector<512x1024xi32> to vector<512xi32>
    %broadcast_in_dim3A_90 = vector.shape_cast %reduce_min3A_89 : vector<512xi32> to vector<512x1xi32>
    %eq3A_91 = vector.broadcast %broadcast_in_dim3A_90 : vector<512x1xi32> to vector<512x1024xi32>
    %eq3A_92 = arith.cmpi eq, %iota3A, %eq3A_91 : vector<512x1024xi32>
    %jit3A_93 = arith.constant 0xFF800000 : f32
    %broadcast_in_dim3A_94 = vector.broadcast %jit3A_93 : f32 to vector<512x1024xf32>
    %select_n3A_95 = arith.select %eq3A_92, %broadcast_in_dim3A_94, %select_n3A_79 : vector<512x1024xi1>, vector<512x1024xf32>
    %reduce_max3A_96 = arith.constant dense<0xFF800000> : vector<512xf32>
    %reduce_max3A_97 = vector.multi_reduction <maximumf>, %select_n3A_95, %reduce_max3A_96 [1] : vector<512x1024xf32> to vector<512xf32>
    %broadcast_in_dim3A_98 = vector.shape_cast %reduce_max3A_97 : vector<512xf32> to vector<512x1xf32>
    %eq3A_99 = vector.broadcast %broadcast_in_dim3A_98 : vector<512x1xf32> to vector<512x1024xf32>
    %eq3A_100 = arith.cmpf oeq, %select_n3A_95, %eq3A_99 : vector<512x1024xf32>
    %jit3A_101 = arith.constant 1073741824 : i32
    %broadcast_in_dim3A_102 = vector.broadcast %jit3A_101 : i32 to vector<512x1024xi32>
    %select_n3A_103 = arith.select %eq3A_100, %iota3A, %broadcast_in_dim3A_102 : vector<512x1024xi1>, vector<512x1024xi32>
    %reduce_min3A_104 = arith.constant dense<2147483647> : vector<512xi32>
    %reduce_min3A_105 = vector.multi_reduction <minsi>, %select_n3A_103, %reduce_min3A_104 [1] : vector<512x1024xi32> to vector<512xi32>
    %broadcast_in_dim3A_106 = vector.shape_cast %reduce_min3A_105 : vector<512xi32> to vector<512x1xi32>
    %add3A_107 = arith.constant 1024 : i32
    %add3A_108 = vector.broadcast %add3A_107 : i32 to vector<512x1xi32>
    %add3A_109 = arith.addi %broadcast_in_dim3A_74, %add3A_108 : vector<512x1xi32>
    %add3A_110 = arith.constant 1024 : i32
    %add3A_111 = vector.broadcast %add3A_110 : i32 to vector<512x1xi32>
    %add3A_112 = arith.addi %broadcast_in_dim3A_90, %add3A_111 : vector<512x1xi32>
    %add3A_113 = arith.constant 1024 : i32
    %add3A_114 = vector.broadcast %add3A_113 : i32 to vector<512x1xi32>
    %add3A_115 = arith.addi %broadcast_in_dim3A_106, %add3A_114 : vector<512x1xi32>
    %broadcast_in_dim3A_116 = arith.constant 0xFF800000 : f32
    %broadcast_in_dim3A_117 = vector.broadcast %broadcast_in_dim3A_116 : f32 to vector<512x1xf32>
    %broadcast_in_dim3A_118 = arith.constant 1073741824 : i32
    %broadcast_in_dim3A_119 = vector.broadcast %broadcast_in_dim3A_118 : i32 to vector<512x1xi32>
    %concatenate3A = tpu.concatenate %broadcast_in_dim3A_13, %broadcast_in_dim3A_26, %broadcast_in_dim3A_42, %broadcast_in_dim3A_66, %broadcast_in_dim3A_82, %broadcast_in_dim3A_98, %broadcast_in_dim3A_117, %broadcast_in_dim3A_117 in 1 : vector<512x1xf32>, vector<512x1xf32>, vector<512x1xf32>, vector<512x1xf32>, vector<512x1xf32>, vector<512x1xf32>, vector<512x1xf32>, vector<512x1xf32> -> vector<512x8xf32>
    %concatenate3A_120 = tpu.concatenate %add3A_52, %add3A_55, %add3A_58, %add3A_109, %add3A_112, %add3A_115, %broadcast_in_dim3A_119, %broadcast_in_dim3A_119 in 1 : vector<512x1xi32>, vector<512x1xi32>, vector<512x1xi32>, vector<512x1xi32>, vector<512x1xi32>, vector<512x1xi32>, vector<512x1xi32>, vector<512x1xi32> -> vector<512x8xi32>
    %reduce_max3A_121 = arith.constant dense<0xFF800000> : vector<512xf32>
    %reduce_max3A_122 = vector.multi_reduction <maximumf>, %concatenate3A, %reduce_max3A_121 [1] : vector<512x8xf32> to vector<512xf32>
    %broadcast_in_dim3A_123 = vector.shape_cast %reduce_max3A_122 : vector<512xf32> to vector<512x1xf32>
    %eq3A_124 = vector.broadcast %broadcast_in_dim3A_123 : vector<512x1xf32> to vector<512x8xf32>
    %eq3A_125 = arith.cmpf oeq, %concatenate3A, %eq3A_124 : vector<512x8xf32>
    %jit3A_126 = arith.constant 1073741824 : i32
    %broadcast_in_dim3A_127 = vector.broadcast %jit3A_126 : i32 to vector<512x8xi32>
    %select_n3A_128 = arith.select %eq3A_125, %concatenate3A_120, %broadcast_in_dim3A_127 : vector<512x8xi1>, vector<512x8xi32>
    %reduce_min3A_129 = arith.constant dense<2147483647> : vector<512xi32>
    %reduce_min3A_130 = vector.multi_reduction <minsi>, %select_n3A_128, %reduce_min3A_129 [1] : vector<512x8xi32> to vector<512xi32>
    %broadcast_in_dim3A_131 = vector.shape_cast %reduce_min3A_130 : vector<512xi32> to vector<512x1xi32>
    %eq3A_132 = vector.broadcast %broadcast_in_dim3A_131 : vector<512x1xi32> to vector<512x8xi32>
    %eq3A_133 = arith.cmpi eq, %concatenate3A_120, %eq3A_132 : vector<512x8xi32>
    %jit3A_134 = arith.constant 0xFF800000 : f32
    %broadcast_in_dim3A_135 = vector.broadcast %jit3A_134 : f32 to vector<512x8xf32>
    %select_n3A_136 = arith.select %eq3A_133, %broadcast_in_dim3A_135, %concatenate3A : vector<512x8xi1>, vector<512x8xf32>
    %reduce_max3A_137 = arith.constant dense<0xFF800000> : vector<512xf32>
    %reduce_max3A_138 = vector.multi_reduction <maximumf>, %select_n3A_136, %reduce_max3A_137 [1] : vector<512x8xf32> to vector<512xf32>
    %broadcast_in_dim3A_139 = vector.shape_cast %reduce_max3A_138 : vector<512xf32> to vector<512x1xf32>
    %eq3A_140 = vector.broadcast %broadcast_in_dim3A_139 : vector<512x1xf32> to vector<512x8xf32>
    %eq3A_141 = arith.cmpf oeq, %select_n3A_136, %eq3A_140 : vector<512x8xf32>
    %jit3A_142 = arith.constant 1073741824 : i32
    %broadcast_in_dim3A_143 = vector.broadcast %jit3A_142 : i32 to vector<512x8xi32>
    %select_n3A_144 = arith.select %eq3A_141, %concatenate3A_120, %broadcast_in_dim3A_143 : vector<512x8xi1>, vector<512x8xi32>
    %reduce_min3A_145 = arith.constant dense<2147483647> : vector<512xi32>
    %reduce_min3A_146 = vector.multi_reduction <minsi>, %select_n3A_144, %reduce_min3A_145 [1] : vector<512x8xi32> to vector<512xi32>
    %broadcast_in_dim3A_147 = vector.shape_cast %reduce_min3A_146 : vector<512xi32> to vector<512x1xi32>
    %eq3A_148 = vector.broadcast %broadcast_in_dim3A_147 : vector<512x1xi32> to vector<512x8xi32>
    %eq3A_149 = arith.cmpi eq, %concatenate3A_120, %eq3A_148 : vector<512x8xi32>
    %jit3A_150 = arith.constant 0xFF800000 : f32
    %broadcast_in_dim3A_151 = vector.broadcast %jit3A_150 : f32 to vector<512x8xf32>
    %select_n3A_152 = arith.select %eq3A_149, %broadcast_in_dim3A_151, %select_n3A_136 : vector<512x8xi1>, vector<512x8xf32>
    %reduce_max3A_153 = arith.constant dense<0xFF800000> : vector<512xf32>
    %reduce_max3A_154 = vector.multi_reduction <maximumf>, %select_n3A_152, %reduce_max3A_153 [1] : vector<512x8xf32> to vector<512xf32>
    %broadcast_in_dim3A_155 = vector.shape_cast %reduce_max3A_154 : vector<512xf32> to vector<512x1xf32>
    %eq3A_156 = vector.broadcast %broadcast_in_dim3A_155 : vector<512x1xf32> to vector<512x8xf32>
    %eq3A_157 = arith.cmpf oeq, %select_n3A_152, %eq3A_156 : vector<512x8xf32>
    %jit3A_158 = arith.constant 1073741824 : i32
    %broadcast_in_dim3A_159 = vector.broadcast %jit3A_158 : i32 to vector<512x8xi32>
    %select_n3A_160 = arith.select %eq3A_157, %concatenate3A_120, %broadcast_in_dim3A_159 : vector<512x8xi1>, vector<512x8xi32>
    %reduce_min3A_161 = arith.constant dense<2147483647> : vector<512xi32>
    %reduce_min3A_162 = vector.multi_reduction <minsi>, %select_n3A_160, %reduce_min3A_161 [1] : vector<512x8xi32> to vector<512xi32>
    %broadcast_in_dim3A_163 = vector.shape_cast %reduce_min3A_162 : vector<512xi32> to vector<512x1xi32>
    %get3A_164 = arith.constant 2048 : index
    %get3A_165 = arith.constant 0 : index
    %get3A_166 = vector.load %arg4[%get3A_164, %get3A_165] : memref<10240x128xf32, #tpu.memory_space<vmem>>, vector<1024x128xf32>
    %dot_general3A_167 = arith.constant dense<0.000000e+00> : vector<512x1024xf32>
    %dot_general3A_168 = tpu.matmul %div3A_7, %get3A_166, %dot_general3A_167 {dimension_numbers = #tpu.dot_dimension_numbers<[1], [1], [0], [0], [0, 0, 1, 0], [], []>, transpose_lhs_hint = false} : vector<512x128xf32>, vector<1024x128xf32>, vector<512x1024xf32> -> vector<512x1024xf32>
    %reduce_max3A_169 = arith.constant dense<0xFF800000> : vector<512xf32>
    %reduce_max3A_170 = vector.multi_reduction <maximumf>, %dot_general3A_168, %reduce_max3A_169 [1] : vector<512x1024xf32> to vector<512xf32>
    %broadcast_in_dim3A_171 = vector.shape_cast %reduce_max3A_170 : vector<512xf32> to vector<512x1xf32>
    %eq3A_172 = vector.broadcast %broadcast_in_dim3A_171 : vector<512x1xf32> to vector<512x1024xf32>
    %eq3A_173 = arith.cmpf oeq, %dot_general3A_168, %eq3A_172 : vector<512x1024xf32>
    %jit3A_174 = arith.constant 1073741824 : i32
    %broadcast_in_dim3A_175 = vector.broadcast %jit3A_174 : i32 to vector<512x1024xi32>
    %select_n3A_176 = arith.select %eq3A_173, %iota3A, %broadcast_in_dim3A_175 : vector<512x1024xi1>, vector<512x1024xi32>
    %reduce_min3A_177 = arith.constant dense<2147483647> : vector<512xi32>
    %reduce_min3A_178 = vector.multi_reduction <minsi>, %select_n3A_176, %reduce_min3A_177 [1] : vector<512x1024xi32> to vector<512xi32>
    %broadcast_in_dim3A_179 = vector.shape_cast %reduce_min3A_178 : vector<512xi32> to vector<512x1xi32>
    %eq3A_180 = vector.broadcast %broadcast_in_dim3A_179 : vector<512x1xi32> to vector<512x1024xi32>
    %eq3A_181 = arith.cmpi eq, %iota3A, %eq3A_180 : vector<512x1024xi32>
    %jit3A_182 = arith.constant 0xFF800000 : f32
    %broadcast_in_dim3A_183 = vector.broadcast %jit3A_182 : f32 to vector<512x1024xf32>
    %select_n3A_184 = arith.select %eq3A_181, %broadcast_in_dim3A_183, %dot_general3A_168 : vector<512x1024xi1>, vector<512x1024xf32>
    %reduce_max3A_185 = arith.constant dense<0xFF800000> : vector<512xf32>
    %reduce_max3A_186 = vector.multi_reduction <maximumf>, %select_n3A_184, %reduce_max3A_185 [1] : vector<512x1024xf32> to vector<512xf32>
    %broadcast_in_dim3A_187 = vector.shape_cast %reduce_max3A_186 : vector<512xf32> to vector<512x1xf32>
    %eq3A_188 = vector.broadcast %broadcast_in_dim3A_187 : vector<512x1xf32> to vector<512x1024xf32>
    %eq3A_189 = arith.cmpf oeq, %select_n3A_184, %eq3A_188 : vector<512x1024xf32>
    %jit3A_190 = arith.constant 1073741824 : i32
    %broadcast_in_dim3A_191 = vector.broadcast %jit3A_190 : i32 to vector<512x1024xi32>
    %select_n3A_192 = arith.select %eq3A_189, %iota3A, %broadcast_in_dim3A_191 : vector<512x1024xi1>, vector<512x1024xi32>
    %reduce_min3A_193 = arith.constant dense<2147483647> : vector<512xi32>
    %reduce_min3A_194 = vector.multi_reduction <minsi>, %select_n3A_192, %reduce_min3A_193 [1] : vector<512x1024xi32> to vector<512xi32>
    %broadcast_in_dim3A_195 = vector.shape_cast %reduce_min3A_194 : vector<512xi32> to vector<512x1xi32>
    %eq3A_196 = vector.broadcast %broadcast_in_dim3A_195 : vector<512x1xi32> to vector<512x1024xi32>
    %eq3A_197 = arith.cmpi eq, %iota3A, %eq3A_196 : vector<512x1024xi32>
    %jit3A_198 = arith.constant 0xFF800000 : f32
    %broadcast_in_dim3A_199 = vector.broadcast %jit3A_198 : f32 to vector<512x1024xf32>
    %select_n3A_200 = arith.select %eq3A_197, %broadcast_in_dim3A_199, %select_n3A_184 : vector<512x1024xi1>, vector<512x1024xf32>
    %reduce_max3A_201 = arith.constant dense<0xFF800000> : vector<512xf32>
    %reduce_max3A_202 = vector.multi_reduction <maximumf>, %select_n3A_200, %reduce_max3A_201 [1] : vector<512x1024xf32> to vector<512xf32>
    %broadcast_in_dim3A_203 = vector.shape_cast %reduce_max3A_202 : vector<512xf32> to vector<512x1xf32>
    %eq3A_204 = vector.broadcast %broadcast_in_dim3A_203 : vector<512x1xf32> to vector<512x1024xf32>
    %eq3A_205 = arith.cmpf oeq, %select_n3A_200, %eq3A_204 : vector<512x1024xf32>
    %jit3A_206 = arith.constant 1073741824 : i32
    %broadcast_in_dim3A_207 = vector.broadcast %jit3A_206 : i32 to vector<512x1024xi32>
    %select_n3A_208 = arith.select %eq3A_205, %iota3A, %broadcast_in_dim3A_207 : vector<512x1024xi1>, vector<512x1024xi32>
    %reduce_min3A_209 = arith.constant dense<2147483647> : vector<512xi32>
    %reduce_min3A_210 = vector.multi_reduction <minsi>, %select_n3A_208, %reduce_min3A_209 [1] : vector<512x1024xi32> to vector<512xi32>
    %broadcast_in_dim3A_211 = vector.shape_cast %reduce_min3A_210 : vector<512xi32> to vector<512x1xi32>
    %add3A_212 = arith.constant 2048 : i32
    %add3A_213 = vector.broadcast %add3A_212 : i32 to vector<512x1xi32>
    %add3A_214 = arith.addi %broadcast_in_dim3A_179, %add3A_213 : vector<512x1xi32>
    %add3A_215 = arith.constant 2048 : i32
    %add3A_216 = vector.broadcast %add3A_215 : i32 to vector<512x1xi32>
    %add3A_217 = arith.addi %broadcast_in_dim3A_195, %add3A_216 : vector<512x1xi32>
    %add3A_218 = arith.constant 2048 : i32
    %add3A_219 = vector.broadcast %add3A_218 : i32 to vector<512x1xi32>
    %add3A_220 = arith.addi %broadcast_in_dim3A_211, %add3A_219 : vector<512x1xi32>
    %broadcast_in_dim3A_221 = arith.constant 0xFF800000 : f32
    %broadcast_in_dim3A_222 = vector.broadcast %broadcast_in_dim3A_221 : f32 to vector<512x1xf32>
    %broadcast_in_dim3A_223 = arith.constant 1073741824 : i32
    %broadcast_in_dim3A_224 = vector.broadcast %broadcast_in_dim3A_223 : i32 to vector<512x1xi32>
    %concatenate3A_225 = tpu.concatenate %broadcast_in_dim3A_123, %broadcast_in_dim3A_139, %broadcast_in_dim3A_155, %broadcast_in_dim3A_171, %broadcast_in_dim3A_187, %broadcast_in_dim3A_203, %broadcast_in_dim3A_222, %broadcast_in_dim3A_222 in 1 : vector<512x1xf32>, vector<512x1xf32>, vector<512x1xf32>, vector<512x1xf32>, vector<512x1xf32>, vector<512x1xf32>, vector<512x1xf32>, vector<512x1xf32> -> vector<512x8xf32>
    %concatenate3A_226 = tpu.concatenate %broadcast_in_dim3A_131, %broadcast_in_dim3A_147, %broadcast_in_dim3A_163, %add3A_214, %add3A_217, %add3A_220, %broadcast_in_dim3A_224, %broadcast_in_dim3A_224 in 1 : vector<512x1xi32>, vector<512x1xi32>, vector<512x1xi32>, vector<512x1xi32>, vector<512x1xi32>, vector<512x1xi32>, vector<512x1xi32>, vector<512x1xi32> -> vector<512x8xi32>
    %reduce_max3A_227 = arith.constant dense<0xFF800000> : vector<512xf32>
    %reduce_max3A_228 = vector.multi_reduction <maximumf>, %concatenate3A_225, %reduce_max3A_227 [1] : vector<512x8xf32> to vector<512xf32>
    %broadcast_in_dim3A_229 = vector.shape_cast %reduce_max3A_228 : vector<512xf32> to vector<512x1xf32>
    %eq3A_230 = vector.broadcast %broadcast_in_dim3A_229 : vector<512x1xf32> to vector<512x8xf32>
    %eq3A_231 = arith.cmpf oeq, %concatenate3A_225, %eq3A_230 : vector<512x8xf32>
    %jit3A_232 = arith.constant 1073741824 : i32
    %broadcast_in_dim3A_233 = vector.broadcast %jit3A_232 : i32 to vector<512x8xi32>
    %select_n3A_234 = arith.select %eq3A_231, %concatenate3A_226, %broadcast_in_dim3A_233 : vector<512x8xi1>, vector<512x8xi32>
    %reduce_min3A_235 = arith.constant dense<2147483647> : vector<512xi32>
    %reduce_min3A_236 = vector.multi_reduction <minsi>, %select_n3A_234, %reduce_min3A_235 [1] : vector<512x8xi32> to vector<512xi32>
    %broadcast_in_dim3A_237 = vector.shape_cast %reduce_min3A_236 : vector<512xi32> to vector<512x1xi32>
    %eq3A_238 = vector.broadcast %broadcast_in_dim3A_237 : vector<512x1xi32> to vector<512x8xi32>
    %eq3A_239 = arith.cmpi eq, %concatenate3A_226, %eq3A_238 : vector<512x8xi32>
    %jit3A_240 = arith.constant 0xFF800000 : f32
    %broadcast_in_dim3A_241 = vector.broadcast %jit3A_240 : f32 to vector<512x8xf32>
    %select_n3A_242 = arith.select %eq3A_239, %broadcast_in_dim3A_241, %concatenate3A_225 : vector<512x8xi1>, vector<512x8xf32>
    %reduce_max3A_243 = arith.constant dense<0xFF800000> : vector<512xf32>
    %reduce_max3A_244 = vector.multi_reduction <maximumf>, %select_n3A_242, %reduce_max3A_243 [1] : vector<512x8xf32> to vector<512xf32>
    %broadcast_in_dim3A_245 = vector.shape_cast %reduce_max3A_244 : vector<512xf32> to vector<512x1xf32>
    %eq3A_246 = vector.broadcast %broadcast_in_dim3A_245 : vector<512x1xf32> to vector<512x8xf32>
    %eq3A_247 = arith.cmpf oeq, %select_n3A_242, %eq3A_246 : vector<512x8xf32>
    %jit3A_248 = arith.constant 1073741824 : i32
    %broadcast_in_dim3A_249 = vector.broadcast %jit3A_248 : i32 to vector<512x8xi32>
    %select_n3A_250 = arith.select %eq3A_247, %concatenate3A_226, %broadcast_in_dim3A_249 : vector<512x8xi1>, vector<512x8xi32>
    %reduce_min3A_251 = arith.constant dense<2147483647> : vector<512xi32>
    %reduce_min3A_252 = vector.multi_reduction <minsi>, %select_n3A_250, %reduce_min3A_251 [1] : vector<512x8xi32> to vector<512xi32>
    %broadcast_in_dim3A_253 = vector.shape_cast %reduce_min3A_252 : vector<512xi32> to vector<512x1xi32>
    %eq3A_254 = vector.broadcast %broadcast_in_dim3A_253 : vector<512x1xi32> to vector<512x8xi32>
    %eq3A_255 = arith.cmpi eq, %concatenate3A_226, %eq3A_254 : vector<512x8xi32>
    %jit3A_256 = arith.constant 0xFF800000 : f32
    %broadcast_in_dim3A_257 = vector.broadcast %jit3A_256 : f32 to vector<512x8xf32>
    %select_n3A_258 = arith.select %eq3A_255, %broadcast_in_dim3A_257, %select_n3A_242 : vector<512x8xi1>, vector<512x8xf32>
    %reduce_max3A_259 = arith.constant dense<0xFF800000> : vector<512xf32>
    %reduce_max3A_260 = vector.multi_reduction <maximumf>, %select_n3A_258, %reduce_max3A_259 [1] : vector<512x8xf32> to vector<512xf32>
    %broadcast_in_dim3A_261 = vector.shape_cast %reduce_max3A_260 : vector<512xf32> to vector<512x1xf32>
    %eq3A_262 = vector.broadcast %broadcast_in_dim3A_261 : vector<512x1xf32> to vector<512x8xf32>
    %eq3A_263 = arith.cmpf oeq, %select_n3A_258, %eq3A_262 : vector<512x8xf32>
    %jit3A_264 = arith.constant 1073741824 : i32
    %broadcast_in_dim3A_265 = vector.broadcast %jit3A_264 : i32 to vector<512x8xi32>
    %select_n3A_266 = arith.select %eq3A_263, %concatenate3A_226, %broadcast_in_dim3A_265 : vector<512x8xi1>, vector<512x8xi32>
    %reduce_min3A_267 = arith.constant dense<2147483647> : vector<512xi32>
    %reduce_min3A_268 = vector.multi_reduction <minsi>, %select_n3A_266, %reduce_min3A_267 [1] : vector<512x8xi32> to vector<512xi32>
    %broadcast_in_dim3A_269 = vector.shape_cast %reduce_min3A_268 : vector<512xi32> to vector<512x1xi32>
    %get3A_270 = arith.constant 3072 : index
    %get3A_271 = arith.constant 0 : index
    %get3A_272 = vector.load %arg4[%get3A_270, %get3A_271] : memref<10240x128xf32, #tpu.memory_space<vmem>>, vector<1024x128xf32>
    %dot_general3A_273 = arith.constant dense<0.000000e+00> : vector<512x1024xf32>
    %dot_general3A_274 = tpu.matmul %div3A_7, %get3A_272, %dot_general3A_273 {dimension_numbers = #tpu.dot_dimension_numbers<[1], [1], [0], [0], [0, 0, 1, 0], [], []>, transpose_lhs_hint = false} : vector<512x128xf32>, vector<1024x128xf32>, vector<512x1024xf32> -> vector<512x1024xf32>
    %reduce_max3A_275 = arith.constant dense<0xFF800000> : vector<512xf32>
    %reduce_max3A_276 = vector.multi_reduction <maximumf>, %dot_general3A_274, %reduce_max3A_275 [1] : vector<512x1024xf32> to vector<512xf32>
    %broadcast_in_dim3A_277 = vector.shape_cast %reduce_max3A_276 : vector<512xf32> to vector<512x1xf32>
    %eq3A_278 = vector.broadcast %broadcast_in_dim3A_277 : vector<512x1xf32> to vector<512x1024xf32>
    %eq3A_279 = arith.cmpf oeq, %dot_general3A_274, %eq3A_278 : vector<512x1024xf32>
    %jit3A_280 = arith.constant 1073741824 : i32
    %broadcast_in_dim3A_281 = vector.broadcast %jit3A_280 : i32 to vector<512x1024xi32>
    %select_n3A_282 = arith.select %eq3A_279, %iota3A, %broadcast_in_dim3A_281 : vector<512x1024xi1>, vector<512x1024xi32>
    %reduce_min3A_283 = arith.constant dense<2147483647> : vector<512xi32>
    %reduce_min3A_284 = vector.multi_reduction <minsi>, %select_n3A_282, %reduce_min3A_283 [1] : vector<512x1024xi32> to vector<512xi32>
    %broadcast_in_dim3A_285 = vector.shape_cast %reduce_min3A_284 : vector<512xi32> to vector<512x1xi32>
    %eq3A_286 = vector.broadcast %broadcast_in_dim3A_285 : vector<512x1xi32> to vector<512x1024xi32>
    %eq3A_287 = arith.cmpi eq, %iota3A, %eq3A_286 : vector<512x1024xi32>
    %jit3A_288 = arith.constant 0xFF800000 : f32
    %broadcast_in_dim3A_289 = vector.broadcast %jit3A_288 : f32 to vector<512x1024xf32>
    %select_n3A_290 = arith.select %eq3A_287, %broadcast_in_dim3A_289, %dot_general3A_274 : vector<512x1024xi1>, vector<512x1024xf32>
    %reduce_max3A_291 = arith.constant dense<0xFF800000> : vector<512xf32>
    %reduce_max3A_292 = vector.multi_reduction <maximumf>, %select_n3A_290, %reduce_max3A_291 [1] : vector<512x1024xf32> to vector<512xf32>
    %broadcast_in_dim3A_293 = vector.shape_cast %reduce_max3A_292 : vector<512xf32> to vector<512x1xf32>
    %eq3A_294 = vector.broadcast %broadcast_in_dim3A_293 : vector<512x1xf32> to vector<512x1024xf32>
    %eq3A_295 = arith.cmpf oeq, %select_n3A_290, %eq3A_294 : vector<512x1024xf32>
    %jit3A_296 = arith.constant 1073741824 : i32
    %broadcast_in_dim3A_297 = vector.broadcast %jit3A_296 : i32 to vector<512x1024xi32>
    %select_n3A_298 = arith.select %eq3A_295, %iota3A, %broadcast_in_dim3A_297 : vector<512x1024xi1>, vector<512x1024xi32>
    %reduce_min3A_299 = arith.constant dense<2147483647> : vector<512xi32>
    %reduce_min3A_300 = vector.multi_reduction <minsi>, %select_n3A_298, %reduce_min3A_299 [1] : vector<512x1024xi32> to vector<512xi32>
    %broadcast_in_dim3A_301 = vector.shape_cast %reduce_min3A_300 : vector<512xi32> to vector<512x1xi32>
    %eq3A_302 = vector.broadcast %broadcast_in_dim3A_301 : vector<512x1xi32> to vector<512x1024xi32>
    %eq3A_303 = arith.cmpi eq, %iota3A, %eq3A_302 : vector<512x1024xi32>
    %jit3A_304 = arith.constant 0xFF800000 : f32
    %broadcast_in_dim3A_305 = vector.broadcast %jit3A_304 : f32 to vector<512x1024xf32>
    %select_n3A_306 = arith.select %eq3A_303, %broadcast_in_dim3A_305, %select_n3A_290 : vector<512x1024xi1>, vector<512x1024xf32>
    %reduce_max3A_307 = arith.constant dense<0xFF800000> : vector<512xf32>
    %reduce_max3A_308 = vector.multi_reduction <maximumf>, %select_n3A_306, %reduce_max3A_307 [1] : vector<512x1024xf32> to vector<512xf32>
    %broadcast_in_dim3A_309 = vector.shape_cast %reduce_max3A_308 : vector<512xf32> to vector<512x1xf32>
    %eq3A_310 = vector.broadcast %broadcast_in_dim3A_309 : vector<512x1xf32> to vector<512x1024xf32>
    %eq3A_311 = arith.cmpf oeq, %select_n3A_306, %eq3A_310 : vector<512x1024xf32>
    %jit3A_312 = arith.constant 1073741824 : i32
    %broadcast_in_dim3A_313 = vector.broadcast %jit3A_312 : i32 to vector<512x1024xi32>
    %select_n3A_314 = arith.select %eq3A_311, %iota3A, %broadcast_in_dim3A_313 : vector<512x1024xi1>, vector<512x1024xi32>
    %reduce_min3A_315 = arith.constant dense<2147483647> : vector<512xi32>
    %reduce_min3A_316 = vector.multi_reduction <minsi>, %select_n3A_314, %reduce_min3A_315 [1] : vector<512x1024xi32> to vector<512xi32>
    %broadcast_in_dim3A_317 = vector.shape_cast %reduce_min3A_316 : vector<512xi32> to vector<512x1xi32>
    %add3A_318 = arith.constant 3072 : i32
    %add3A_319 = vector.broadcast %add3A_318 : i32 to vector<512x1xi32>
    %add3A_320 = arith.addi %broadcast_in_dim3A_285, %add3A_319 : vector<512x1xi32>
    %add3A_321 = arith.constant 3072 : i32
    %add3A_322 = vector.broadcast %add3A_321 : i32 to vector<512x1xi32>
    %add3A_323 = arith.addi %broadcast_in_dim3A_301, %add3A_322 : vector<512x1xi32>
    %add3A_324 = arith.constant 3072 : i32
    %add3A_325 = vector.broadcast %add3A_324 : i32 to vector<512x1xi32>
    %add3A_326 = arith.addi %broadcast_in_dim3A_317, %add3A_325 : vector<512x1xi32>
    %broadcast_in_dim3A_327 = arith.constant 0xFF800000 : f32
    %broadcast_in_dim3A_328 = vector.broadcast %broadcast_in_dim3A_327 : f32 to vector<512x1xf32>
    %broadcast_in_dim3A_329 = arith.constant 1073741824 : i32
    %broadcast_in_dim3A_330 = vector.broadcast %broadcast_in_dim3A_329 : i32 to vector<512x1xi32>
    %concatenate3A_331 = tpu.concatenate %broadcast_in_dim3A_229, %broadcast_in_dim3A_245, %broadcast_in_dim3A_261, %broadcast_in_dim3A_277, %broadcast_in_dim3A_293, %broadcast_in_dim3A_309, %broadcast_in_dim3A_328, %broadcast_in_dim3A_328 in 1 : vector<512x1xf32>, vector<512x1xf32>, vector<512x1xf32>, vector<512x1xf32>, vector<512x1xf32>, vector<512x1xf32>, vector<512x1xf32>, vector<512x1xf32> -> vector<512x8xf32>
    %concatenate3A_332 = tpu.concatenate %broadcast_in_dim3A_237, %broadcast_in_dim3A_253, %broadcast_in_dim3A_269, %add3A_320, %add3A_323, %add3A_326, %broadcast_in_dim3A_330, %broadcast_in_dim3A_330 in 1 : vector<512x1xi32>, vector<512x1xi32>, vector<512x1xi32>, vector<512x1xi32>, vector<512x1xi32>, vector<512x1xi32>, vector<512x1xi32>, vector<512x1xi32> -> vector<512x8xi32>
    %reduce_max3A_333 = arith.constant dense<0xFF800000> : vector<512xf32>
    %reduce_max3A_334 = vector.multi_reduction <maximumf>, %concatenate3A_331, %reduce_max3A_333 [1] : vector<512x8xf32> to vector<512xf32>
    %broadcast_in_dim3A_335 = vector.shape_cast %reduce_max3A_334 : vector<512xf32> to vector<512x1xf32>
    %eq3A_336 = vector.broadcast %broadcast_in_dim3A_335 : vector<512x1xf32> to vector<512x8xf32>
    %eq3A_337 = arith.cmpf oeq, %concatenate3A_331, %eq3A_336 : vector<512x8xf32>
    %jit3A_338 = arith.constant 1073741824 : i32
    %broadcast_in_dim3A_339 = vector.broadcast %jit3A_338 : i32 to vector<512x8xi32>
    %select_n3A_340 = arith.select %eq3A_337, %concatenate3A_332, %broadcast_in_dim3A_339 : vector<512x8xi1>, vector<512x8xi32>
    %reduce_min3A_341 = arith.constant dense<2147483647> : vector<512xi32>
    %reduce_min3A_342 = vector.multi_reduction <minsi>, %select_n3A_340, %reduce_min3A_341 [1] : vector<512x8xi32> to vector<512xi32>
    %broadcast_in_dim3A_343 = vector.shape_cast %reduce_min3A_342 : vector<512xi32> to vector<512x1xi32>
    %eq3A_344 = vector.broadcast %broadcast_in_dim3A_343 : vector<512x1xi32> to vector<512x8xi32>
    %eq3A_345 = arith.cmpi eq, %concatenate3A_332, %eq3A_344 : vector<512x8xi32>
    %jit3A_346 = arith.constant 0xFF800000 : f32
    %broadcast_in_dim3A_347 = vector.broadcast %jit3A_346 : f32 to vector<512x8xf32>
    %select_n3A_348 = arith.select %eq3A_345, %broadcast_in_dim3A_347, %concatenate3A_331 : vector<512x8xi1>, vector<512x8xf32>
    %reduce_max3A_349 = arith.constant dense<0xFF800000> : vector<512xf32>
    %reduce_max3A_350 = vector.multi_reduction <maximumf>, %select_n3A_348, %reduce_max3A_349 [1] : vector<512x8xf32> to vector<512xf32>
    %broadcast_in_dim3A_351 = vector.shape_cast %reduce_max3A_350 : vector<512xf32> to vector<512x1xf32>
    %eq3A_352 = vector.broadcast %broadcast_in_dim3A_351 : vector<512x1xf32> to vector<512x8xf32>
    %eq3A_353 = arith.cmpf oeq, %select_n3A_348, %eq3A_352 : vector<512x8xf32>
    %jit3A_354 = arith.constant 1073741824 : i32
    %broadcast_in_dim3A_355 = vector.broadcast %jit3A_354 : i32 to vector<512x8xi32>
    %select_n3A_356 = arith.select %eq3A_353, %concatenate3A_332, %broadcast_in_dim3A_355 : vector<512x8xi1>, vector<512x8xi32>
    %reduce_min3A_357 = arith.constant dense<2147483647> : vector<512xi32>
    %reduce_min3A_358 = vector.multi_reduction <minsi>, %select_n3A_356, %reduce_min3A_357 [1] : vector<512x8xi32> to vector<512xi32>
    %broadcast_in_dim3A_359 = vector.shape_cast %reduce_min3A_358 : vector<512xi32> to vector<512x1xi32>
    %eq3A_360 = vector.broadcast %broadcast_in_dim3A_359 : vector<512x1xi32> to vector<512x8xi32>
    %eq3A_361 = arith.cmpi eq, %concatenate3A_332, %eq3A_360 : vector<512x8xi32>
    %jit3A_362 = arith.constant 0xFF800000 : f32
    %broadcast_in_dim3A_363 = vector.broadcast %jit3A_362 : f32 to vector<512x8xf32>
    %select_n3A_364 = arith.select %eq3A_361, %broadcast_in_dim3A_363, %select_n3A_348 : vector<512x8xi1>, vector<512x8xf32>
    %reduce_max3A_365 = arith.constant dense<0xFF800000> : vector<512xf32>
    %reduce_max3A_366 = vector.multi_reduction <maximumf>, %select_n3A_364, %reduce_max3A_365 [1] : vector<512x8xf32> to vector<512xf32>
    %broadcast_in_dim3A_367 = vector.shape_cast %reduce_max3A_366 : vector<512xf32> to vector<512x1xf32>
    %eq3A_368 = vector.broadcast %broadcast_in_dim3A_367 : vector<512x1xf32> to vector<512x8xf32>
    %eq3A_369 = arith.cmpf oeq, %select_n3A_364, %eq3A_368 : vector<512x8xf32>
    %jit3A_370 = arith.constant 1073741824 : i32
    %broadcast_in_dim3A_371 = vector.broadcast %jit3A_370 : i32 to vector<512x8xi32>
    %select_n3A_372 = arith.select %eq3A_369, %concatenate3A_332, %broadcast_in_dim3A_371 : vector<512x8xi1>, vector<512x8xi32>
    %reduce_min3A_373 = arith.constant dense<2147483647> : vector<512xi32>
    %reduce_min3A_374 = vector.multi_reduction <minsi>, %select_n3A_372, %reduce_min3A_373 [1] : vector<512x8xi32> to vector<512xi32>
    %broadcast_in_dim3A_375 = vector.shape_cast %reduce_min3A_374 : vector<512xi32> to vector<512x1xi32>
    %get3A_376 = arith.constant 4096 : index
    %get3A_377 = arith.constant 0 : index
    %get3A_378 = vector.load %arg4[%get3A_376, %get3A_377] : memref<10240x128xf32, #tpu.memory_space<vmem>>, vector<1024x128xf32>
    %dot_general3A_379 = arith.constant dense<0.000000e+00> : vector<512x1024xf32>
    %dot_general3A_380 = tpu.matmul %div3A_7, %get3A_378, %dot_general3A_379 {dimension_numbers = #tpu.dot_dimension_numbers<[1], [1], [0], [0], [0, 0, 1, 0], [], []>, transpose_lhs_hint = false} : vector<512x128xf32>, vector<1024x128xf32>, vector<512x1024xf32> -> vector<512x1024xf32>
    %reduce_max3A_381 = arith.constant dense<0xFF800000> : vector<512xf32>
    %reduce_max3A_382 = vector.multi_reduction <maximumf>, %dot_general3A_380, %reduce_max3A_381 [1] : vector<512x1024xf32> to vector<512xf32>
    %broadcast_in_dim3A_383 = vector.shape_cast %reduce_max3A_382 : vector<512xf32> to vector<512x1xf32>
    %eq3A_384 = vector.broadcast %broadcast_in_dim3A_383 : vector<512x1xf32> to vector<512x1024xf32>
    %eq3A_385 = arith.cmpf oeq, %dot_general3A_380, %eq3A_384 : vector<512x1024xf32>
    %jit3A_386 = arith.constant 1073741824 : i32
    %broadcast_in_dim3A_387 = vector.broadcast %jit3A_386 : i32 to vector<512x1024xi32>
    %select_n3A_388 = arith.select %eq3A_385, %iota3A, %broadcast_in_dim3A_387 : vector<512x1024xi1>, vector<512x1024xi32>
    %reduce_min3A_389 = arith.constant dense<2147483647> : vector<512xi32>
    %reduce_min3A_390 = vector.multi_reduction <minsi>, %select_n3A_388, %reduce_min3A_389 [1] : vector<512x1024xi32> to vector<512xi32>
    %broadcast_in_dim3A_391 = vector.shape_cast %reduce_min3A_390 : vector<512xi32> to vector<512x1xi32>
    %eq3A_392 = vector.broadcast %broadcast_in_dim3A_391 : vector<512x1xi32> to vector<512x1024xi32>
    %eq3A_393 = arith.cmpi eq, %iota3A, %eq3A_392 : vector<512x1024xi32>
    %jit3A_394 = arith.constant 0xFF800000 : f32
    %broadcast_in_dim3A_395 = vector.broadcast %jit3A_394 : f32 to vector<512x1024xf32>
    %select_n3A_396 = arith.select %eq3A_393, %broadcast_in_dim3A_395, %dot_general3A_380 : vector<512x1024xi1>, vector<512x1024xf32>
    %reduce_max3A_397 = arith.constant dense<0xFF800000> : vector<512xf32>
    %reduce_max3A_398 = vector.multi_reduction <maximumf>, %select_n3A_396, %reduce_max3A_397 [1] : vector<512x1024xf32> to vector<512xf32>
    %broadcast_in_dim3A_399 = vector.shape_cast %reduce_max3A_398 : vector<512xf32> to vector<512x1xf32>
    %eq3A_400 = vector.broadcast %broadcast_in_dim3A_399 : vector<512x1xf32> to vector<512x1024xf32>
    %eq3A_401 = arith.cmpf oeq, %select_n3A_396, %eq3A_400 : vector<512x1024xf32>
    %jit3A_402 = arith.constant 1073741824 : i32
    %broadcast_in_dim3A_403 = vector.broadcast %jit3A_402 : i32 to vector<512x1024xi32>
    %select_n3A_404 = arith.select %eq3A_401, %iota3A, %broadcast_in_dim3A_403 : vector<512x1024xi1>, vector<512x1024xi32>
    %reduce_min3A_405 = arith.constant dense<2147483647> : vector<512xi32>
    %reduce_min3A_406 = vector.multi_reduction <minsi>, %select_n3A_404, %reduce_min3A_405 [1] : vector<512x1024xi32> to vector<512xi32>
    %broadcast_in_dim3A_407 = vector.shape_cast %reduce_min3A_406 : vector<512xi32> to vector<512x1xi32>
    %eq3A_408 = vector.broadcast %broadcast_in_dim3A_407 : vector<512x1xi32> to vector<512x1024xi32>
    %eq3A_409 = arith.cmpi eq, %iota3A, %eq3A_408 : vector<512x1024xi32>
    %jit3A_410 = arith.constant 0xFF800000 : f32
    %broadcast_in_dim3A_411 = vector.broadcast %jit3A_410 : f32 to vector<512x1024xf32>
    %select_n3A_412 = arith.select %eq3A_409, %broadcast_in_dim3A_411, %select_n3A_396 : vector<512x1024xi1>, vector<512x1024xf32>
    %reduce_max3A_413 = arith.constant dense<0xFF800000> : vector<512xf32>
    %reduce_max3A_414 = vector.multi_reduction <maximumf>, %select_n3A_412, %reduce_max3A_413 [1] : vector<512x1024xf32> to vector<512xf32>
    %broadcast_in_dim3A_415 = vector.shape_cast %reduce_max3A_414 : vector<512xf32> to vector<512x1xf32>
    %eq3A_416 = vector.broadcast %broadcast_in_dim3A_415 : vector<512x1xf32> to vector<512x1024xf32>
    %eq3A_417 = arith.cmpf oeq, %select_n3A_412, %eq3A_416 : vector<512x1024xf32>
    %jit3A_418 = arith.constant 1073741824 : i32
    %broadcast_in_dim3A_419 = vector.broadcast %jit3A_418 : i32 to vector<512x1024xi32>
    %select_n3A_420 = arith.select %eq3A_417, %iota3A, %broadcast_in_dim3A_419 : vector<512x1024xi1>, vector<512x1024xi32>
    %reduce_min3A_421 = arith.constant dense<2147483647> : vector<512xi32>
    %reduce_min3A_422 = vector.multi_reduction <minsi>, %select_n3A_420, %reduce_min3A_421 [1] : vector<512x1024xi32> to vector<512xi32>
    %broadcast_in_dim3A_423 = vector.shape_cast %reduce_min3A_422 : vector<512xi32> to vector<512x1xi32>
    %add3A_424 = arith.constant 4096 : i32
    %add3A_425 = vector.broadcast %add3A_424 : i32 to vector<512x1xi32>
    %add3A_426 = arith.addi %broadcast_in_dim3A_391, %add3A_425 : vector<512x1xi32>
    %add3A_427 = arith.constant 4096 : i32
    %add3A_428 = vector.broadcast %add3A_427 : i32 to vector<512x1xi32>
    %add3A_429 = arith.addi %broadcast_in_dim3A_407, %add3A_428 : vector<512x1xi32>
    %add3A_430 = arith.constant 4096 : i32
    %add3A_431 = vector.broadcast %add3A_430 : i32 to vector<512x1xi32>
    %add3A_432 = arith.addi %broadcast_in_dim3A_423, %add3A_431 : vector<512x1xi32>
    %broadcast_in_dim3A_433 = arith.constant 0xFF800000 : f32
    %broadcast_in_dim3A_434 = vector.broadcast %broadcast_in_dim3A_433 : f32 to vector<512x1xf32>
    %broadcast_in_dim3A_435 = arith.constant 1073741824 : i32
    %broadcast_in_dim3A_436 = vector.broadcast %broadcast_in_dim3A_435 : i32 to vector<512x1xi32>
    %concatenate3A_437 = tpu.concatenate %broadcast_in_dim3A_335, %broadcast_in_dim3A_351, %broadcast_in_dim3A_367, %broadcast_in_dim3A_383, %broadcast_in_dim3A_399, %broadcast_in_dim3A_415, %broadcast_in_dim3A_434, %broadcast_in_dim3A_434 in 1 : vector<512x1xf32>, vector<512x1xf32>, vector<512x1xf32>, vector<512x1xf32>, vector<512x1xf32>, vector<512x1xf32>, vector<512x1xf32>, vector<512x1xf32> -> vector<512x8xf32>
    %concatenate3A_438 = tpu.concatenate %broadcast_in_dim3A_343, %broadcast_in_dim3A_359, %broadcast_in_dim3A_375, %add3A_426, %add3A_429, %add3A_432, %broadcast_in_dim3A_436, %broadcast_in_dim3A_436 in 1 : vector<512x1xi32>, vector<512x1xi32>, vector<512x1xi32>, vector<512x1xi32>, vector<512x1xi32>, vector<512x1xi32>, vector<512x1xi32>, vector<512x1xi32> -> vector<512x8xi32>
    %reduce_max3A_439 = arith.constant dense<0xFF800000> : vector<512xf32>
    %reduce_max3A_440 = vector.multi_reduction <maximumf>, %concatenate3A_437, %reduce_max3A_439 [1] : vector<512x8xf32> to vector<512xf32>
    %broadcast_in_dim3A_441 = vector.shape_cast %reduce_max3A_440 : vector<512xf32> to vector<512x1xf32>
    %eq3A_442 = vector.broadcast %broadcast_in_dim3A_441 : vector<512x1xf32> to vector<512x8xf32>
    %eq3A_443 = arith.cmpf oeq, %concatenate3A_437, %eq3A_442 : vector<512x8xf32>
    %jit3A_444 = arith.constant 1073741824 : i32
    %broadcast_in_dim3A_445 = vector.broadcast %jit3A_444 : i32 to vector<512x8xi32>
    %select_n3A_446 = arith.select %eq3A_443, %concatenate3A_438, %broadcast_in_dim3A_445 : vector<512x8xi1>, vector<512x8xi32>
    %reduce_min3A_447 = arith.constant dense<2147483647> : vector<512xi32>
    %reduce_min3A_448 = vector.multi_reduction <minsi>, %select_n3A_446, %reduce_min3A_447 [1] : vector<512x8xi32> to vector<512xi32>
    %broadcast_in_dim3A_449 = vector.shape_cast %reduce_min3A_448 : vector<512xi32> to vector<512x1xi32>
    %eq3A_450 = vector.broadcast %broadcast_in_dim3A_449 : vector<512x1xi32> to vector<512x8xi32>
    %eq3A_451 = arith.cmpi eq, %concatenate3A_438, %eq3A_450 : vector<512x8xi32>
    %jit3A_452 = arith.constant 0xFF800000 : f32
    %broadcast_in_dim3A_453 = vector.broadcast %jit3A_452 : f32 to vector<512x8xf32>
    %select_n3A_454 = arith.select %eq3A_451, %broadcast_in_dim3A_453, %concatenate3A_437 : vector<512x8xi1>, vector<512x8xf32>
    %reduce_max3A_455 = arith.constant dense<0xFF800000> : vector<512xf32>
    %reduce_max3A_456 = vector.multi_reduction <maximumf>, %select_n3A_454, %reduce_max3A_455 [1] : vector<512x8xf32> to vector<512xf32>
    %broadcast_in_dim3A_457 = vector.shape_cast %reduce_max3A_456 : vector<512xf32> to vector<512x1xf32>
    %eq3A_458 = vector.broadcast %broadcast_in_dim3A_457 : vector<512x1xf32> to vector<512x8xf32>
    %eq3A_459 = arith.cmpf oeq, %select_n3A_454, %eq3A_458 : vector<512x8xf32>
    %jit3A_460 = arith.constant 1073741824 : i32
    %broadcast_in_dim3A_461 = vector.broadcast %jit3A_460 : i32 to vector<512x8xi32>
    %select_n3A_462 = arith.select %eq3A_459, %concatenate3A_438, %broadcast_in_dim3A_461 : vector<512x8xi1>, vector<512x8xi32>
    %reduce_min3A_463 = arith.constant dense<2147483647> : vector<512xi32>
    %reduce_min3A_464 = vector.multi_reduction <minsi>, %select_n3A_462, %reduce_min3A_463 [1] : vector<512x8xi32> to vector<512xi32>
    %broadcast_in_dim3A_465 = vector.shape_cast %reduce_min3A_464 : vector<512xi32> to vector<512x1xi32>
    %eq3A_466 = vector.broadcast %broadcast_in_dim3A_465 : vector<512x1xi32> to vector<512x8xi32>
    %eq3A_467 = arith.cmpi eq, %concatenate3A_438, %eq3A_466 : vector<512x8xi32>
    %jit3A_468 = arith.constant 0xFF800000 : f32
    %broadcast_in_dim3A_469 = vector.broadcast %jit3A_468 : f32 to vector<512x8xf32>
    %select_n3A_470 = arith.select %eq3A_467, %broadcast_in_dim3A_469, %select_n3A_454 : vector<512x8xi1>, vector<512x8xf32>
    %reduce_max3A_471 = arith.constant dense<0xFF800000> : vector<512xf32>
    %reduce_max3A_472 = vector.multi_reduction <maximumf>, %select_n3A_470, %reduce_max3A_471 [1] : vector<512x8xf32> to vector<512xf32>
    %broadcast_in_dim3A_473 = vector.shape_cast %reduce_max3A_472 : vector<512xf32> to vector<512x1xf32>
    %eq3A_474 = vector.broadcast %broadcast_in_dim3A_473 : vector<512x1xf32> to vector<512x8xf32>
    %eq3A_475 = arith.cmpf oeq, %select_n3A_470, %eq3A_474 : vector<512x8xf32>
    %jit3A_476 = arith.constant 1073741824 : i32
    %broadcast_in_dim3A_477 = vector.broadcast %jit3A_476 : i32 to vector<512x8xi32>
    %select_n3A_478 = arith.select %eq3A_475, %concatenate3A_438, %broadcast_in_dim3A_477 : vector<512x8xi1>, vector<512x8xi32>
    %reduce_min3A_479 = arith.constant dense<2147483647> : vector<512xi32>
    %reduce_min3A_480 = vector.multi_reduction <minsi>, %select_n3A_478, %reduce_min3A_479 [1] : vector<512x8xi32> to vector<512xi32>
    %broadcast_in_dim3A_481 = vector.shape_cast %reduce_min3A_480 : vector<512xi32> to vector<512x1xi32>
    %get3A_482 = arith.constant 5120 : index
    %get3A_483 = arith.constant 0 : index
    %get3A_484 = vector.load %arg4[%get3A_482, %get3A_483] : memref<10240x128xf32, #tpu.memory_space<vmem>>, vector<1024x128xf32>
    %dot_general3A_485 = arith.constant dense<0.000000e+00> : vector<512x1024xf32>
    %dot_general3A_486 = tpu.matmul %div3A_7, %get3A_484, %dot_general3A_485 {dimension_numbers = #tpu.dot_dimension_numbers<[1], [1], [0], [0], [0, 0, 1, 0], [], []>, transpose_lhs_hint = false} : vector<512x128xf32>, vector<1024x128xf32>, vector<512x1024xf32> -> vector<512x1024xf32>
    %reduce_max3A_487 = arith.constant dense<0xFF800000> : vector<512xf32>
    %reduce_max3A_488 = vector.multi_reduction <maximumf>, %dot_general3A_486, %reduce_max3A_487 [1] : vector<512x1024xf32> to vector<512xf32>
    %broadcast_in_dim3A_489 = vector.shape_cast %reduce_max3A_488 : vector<512xf32> to vector<512x1xf32>
    %eq3A_490 = vector.broadcast %broadcast_in_dim3A_489 : vector<512x1xf32> to vector<512x1024xf32>
    %eq3A_491 = arith.cmpf oeq, %dot_general3A_486, %eq3A_490 : vector<512x1024xf32>
    %jit3A_492 = arith.constant 1073741824 : i32
    %broadcast_in_dim3A_493 = vector.broadcast %jit3A_492 : i32 to vector<512x1024xi32>
    %select_n3A_494 = arith.select %eq3A_491, %iota3A, %broadcast_in_dim3A_493 : vector<512x1024xi1>, vector<512x1024xi32>
    %reduce_min3A_495 = arith.constant dense<2147483647> : vector<512xi32>
    %reduce_min3A_496 = vector.multi_reduction <minsi>, %select_n3A_494, %reduce_min3A_495 [1] : vector<512x1024xi32> to vector<512xi32>
    %broadcast_in_dim3A_497 = vector.shape_cast %reduce_min3A_496 : vector<512xi32> to vector<512x1xi32>
    %eq3A_498 = vector.broadcast %broadcast_in_dim3A_497 : vector<512x1xi32> to vector<512x1024xi32>
    %eq3A_499 = arith.cmpi eq, %iota3A, %eq3A_498 : vector<512x1024xi32>
    %jit3A_500 = arith.constant 0xFF800000 : f32
    %broadcast_in_dim3A_501 = vector.broadcast %jit3A_500 : f32 to vector<512x1024xf32>
    %select_n3A_502 = arith.select %eq3A_499, %broadcast_in_dim3A_501, %dot_general3A_486 : vector<512x1024xi1>, vector<512x1024xf32>
    %reduce_max3A_503 = arith.constant dense<0xFF800000> : vector<512xf32>
    %reduce_max3A_504 = vector.multi_reduction <maximumf>, %select_n3A_502, %reduce_max3A_503 [1] : vector<512x1024xf32> to vector<512xf32>
    %broadcast_in_dim3A_505 = vector.shape_cast %reduce_max3A_504 : vector<512xf32> to vector<512x1xf32>
    %eq3A_506 = vector.broadcast %broadcast_in_dim3A_505 : vector<512x1xf32> to vector<512x1024xf32>
    %eq3A_507 = arith.cmpf oeq, %select_n3A_502, %eq3A_506 : vector<512x1024xf32>
    %jit3A_508 = arith.constant 1073741824 : i32
    %broadcast_in_dim3A_509 = vector.broadcast %jit3A_508 : i32 to vector<512x1024xi32>
    %select_n3A_510 = arith.select %eq3A_507, %iota3A, %broadcast_in_dim3A_509 : vector<512x1024xi1>, vector<512x1024xi32>
    %reduce_min3A_511 = arith.constant dense<2147483647> : vector<512xi32>
    %reduce_min3A_512 = vector.multi_reduction <minsi>, %select_n3A_510, %reduce_min3A_511 [1] : vector<512x1024xi32> to vector<512xi32>
    %broadcast_in_dim3A_513 = vector.shape_cast %reduce_min3A_512 : vector<512xi32> to vector<512x1xi32>
    %eq3A_514 = vector.broadcast %broadcast_in_dim3A_513 : vector<512x1xi32> to vector<512x1024xi32>
    %eq3A_515 = arith.cmpi eq, %iota3A, %eq3A_514 : vector<512x1024xi32>
    %jit3A_516 = arith.constant 0xFF800000 : f32
    %broadcast_in_dim3A_517 = vector.broadcast %jit3A_516 : f32 to vector<512x1024xf32>
    %select_n3A_518 = arith.select %eq3A_515, %broadcast_in_dim3A_517, %select_n3A_502 : vector<512x1024xi1>, vector<512x1024xf32>
    %reduce_max3A_519 = arith.constant dense<0xFF800000> : vector<512xf32>
    %reduce_max3A_520 = vector.multi_reduction <maximumf>, %select_n3A_518, %reduce_max3A_519 [1] : vector<512x1024xf32> to vector<512xf32>
    %broadcast_in_dim3A_521 = vector.shape_cast %reduce_max3A_520 : vector<512xf32> to vector<512x1xf32>
    %eq3A_522 = vector.broadcast %broadcast_in_dim3A_521 : vector<512x1xf32> to vector<512x1024xf32>
    %eq3A_523 = arith.cmpf oeq, %select_n3A_518, %eq3A_522 : vector<512x1024xf32>
    %jit3A_524 = arith.constant 1073741824 : i32
    %broadcast_in_dim3A_525 = vector.broadcast %jit3A_524 : i32 to vector<512x1024xi32>
    %select_n3A_526 = arith.select %eq3A_523, %iota3A, %broadcast_in_dim3A_525 : vector<512x1024xi1>, vector<512x1024xi32>
    %reduce_min3A_527 = arith.constant dense<2147483647> : vector<512xi32>
    %reduce_min3A_528 = vector.multi_reduction <minsi>, %select_n3A_526, %reduce_min3A_527 [1] : vector<512x1024xi32> to vector<512xi32>
    %broadcast_in_dim3A_529 = vector.shape_cast %reduce_min3A_528 : vector<512xi32> to vector<512x1xi32>
    %add3A_530 = arith.constant 5120 : i32
    %add3A_531 = vector.broadcast %add3A_530 : i32 to vector<512x1xi32>
    %add3A_532 = arith.addi %broadcast_in_dim3A_497, %add3A_531 : vector<512x1xi32>
    %add3A_533 = arith.constant 5120 : i32
    %add3A_534 = vector.broadcast %add3A_533 : i32 to vector<512x1xi32>
    %add3A_535 = arith.addi %broadcast_in_dim3A_513, %add3A_534 : vector<512x1xi32>
    %add3A_536 = arith.constant 5120 : i32
    %add3A_537 = vector.broadcast %add3A_536 : i32 to vector<512x1xi32>
    %add3A_538 = arith.addi %broadcast_in_dim3A_529, %add3A_537 : vector<512x1xi32>
    %broadcast_in_dim3A_539 = arith.constant 0xFF800000 : f32
    %broadcast_in_dim3A_540 = vector.broadcast %broadcast_in_dim3A_539 : f32 to vector<512x1xf32>
    %broadcast_in_dim3A_541 = arith.constant 1073741824 : i32
    %broadcast_in_dim3A_542 = vector.broadcast %broadcast_in_dim3A_541 : i32 to vector<512x1xi32>
    %concatenate3A_543 = tpu.concatenate %broadcast_in_dim3A_441, %broadcast_in_dim3A_457, %broadcast_in_dim3A_473, %broadcast_in_dim3A_489, %broadcast_in_dim3A_505, %broadcast_in_dim3A_521, %broadcast_in_dim3A_540, %broadcast_in_dim3A_540 in 1 : vector<512x1xf32>, vector<512x1xf32>, vector<512x1xf32>, vector<512x1xf32>, vector<512x1xf32>, vector<512x1xf32>, vector<512x1xf32>, vector<512x1xf32> -> vector<512x8xf32>
    %concatenate3A_544 = tpu.concatenate %broadcast_in_dim3A_449, %broadcast_in_dim3A_465, %broadcast_in_dim3A_481, %add3A_532, %add3A_535, %add3A_538, %broadcast_in_dim3A_542, %broadcast_in_dim3A_542 in 1 : vector<512x1xi32>, vector<512x1xi32>, vector<512x1xi32>, vector<512x1xi32>, vector<512x1xi32>, vector<512x1xi32>, vector<512x1xi32>, vector<512x1xi32> -> vector<512x8xi32>
    %reduce_max3A_545 = arith.constant dense<0xFF800000> : vector<512xf32>
    %reduce_max3A_546 = vector.multi_reduction <maximumf>, %concatenate3A_543, %reduce_max3A_545 [1] : vector<512x8xf32> to vector<512xf32>
    %broadcast_in_dim3A_547 = vector.shape_cast %reduce_max3A_546 : vector<512xf32> to vector<512x1xf32>
    %eq3A_548 = vector.broadcast %broadcast_in_dim3A_547 : vector<512x1xf32> to vector<512x8xf32>
    %eq3A_549 = arith.cmpf oeq, %concatenate3A_543, %eq3A_548 : vector<512x8xf32>
    %jit3A_550 = arith.constant 1073741824 : i32
    %broadcast_in_dim3A_551 = vector.broadcast %jit3A_550 : i32 to vector<512x8xi32>
    %select_n3A_552 = arith.select %eq3A_549, %concatenate3A_544, %broadcast_in_dim3A_551 : vector<512x8xi1>, vector<512x8xi32>
    %reduce_min3A_553 = arith.constant dense<2147483647> : vector<512xi32>
    %reduce_min3A_554 = vector.multi_reduction <minsi>, %select_n3A_552, %reduce_min3A_553 [1] : vector<512x8xi32> to vector<512xi32>
    %broadcast_in_dim3A_555 = vector.shape_cast %reduce_min3A_554 : vector<512xi32> to vector<512x1xi32>
    %eq3A_556 = vector.broadcast %broadcast_in_dim3A_555 : vector<512x1xi32> to vector<512x8xi32>
    %eq3A_557 = arith.cmpi eq, %concatenate3A_544, %eq3A_556 : vector<512x8xi32>
    %jit3A_558 = arith.constant 0xFF800000 : f32
    %broadcast_in_dim3A_559 = vector.broadcast %jit3A_558 : f32 to vector<512x8xf32>
    %select_n3A_560 = arith.select %eq3A_557, %broadcast_in_dim3A_559, %concatenate3A_543 : vector<512x8xi1>, vector<512x8xf32>
    %reduce_max3A_561 = arith.constant dense<0xFF800000> : vector<512xf32>
    %reduce_max3A_562 = vector.multi_reduction <maximumf>, %select_n3A_560, %reduce_max3A_561 [1] : vector<512x8xf32> to vector<512xf32>
    %broadcast_in_dim3A_563 = vector.shape_cast %reduce_max3A_562 : vector<512xf32> to vector<512x1xf32>
    %eq3A_564 = vector.broadcast %broadcast_in_dim3A_563 : vector<512x1xf32> to vector<512x8xf32>
    %eq3A_565 = arith.cmpf oeq, %select_n3A_560, %eq3A_564 : vector<512x8xf32>
    %jit3A_566 = arith.constant 1073741824 : i32
    %broadcast_in_dim3A_567 = vector.broadcast %jit3A_566 : i32 to vector<512x8xi32>
    %select_n3A_568 = arith.select %eq3A_565, %concatenate3A_544, %broadcast_in_dim3A_567 : vector<512x8xi1>, vector<512x8xi32>
    %reduce_min3A_569 = arith.constant dense<2147483647> : vector<512xi32>
    %reduce_min3A_570 = vector.multi_reduction <minsi>, %select_n3A_568, %reduce_min3A_569 [1] : vector<512x8xi32> to vector<512xi32>
    %broadcast_in_dim3A_571 = vector.shape_cast %reduce_min3A_570 : vector<512xi32> to vector<512x1xi32>
    %eq3A_572 = vector.broadcast %broadcast_in_dim3A_571 : vector<512x1xi32> to vector<512x8xi32>
    %eq3A_573 = arith.cmpi eq, %concatenate3A_544, %eq3A_572 : vector<512x8xi32>
    %jit3A_574 = arith.constant 0xFF800000 : f32
    %broadcast_in_dim3A_575 = vector.broadcast %jit3A_574 : f32 to vector<512x8xf32>
    %select_n3A_576 = arith.select %eq3A_573, %broadcast_in_dim3A_575, %select_n3A_560 : vector<512x8xi1>, vector<512x8xf32>
    %reduce_max3A_577 = arith.constant dense<0xFF800000> : vector<512xf32>
    %reduce_max3A_578 = vector.multi_reduction <maximumf>, %select_n3A_576, %reduce_max3A_577 [1] : vector<512x8xf32> to vector<512xf32>
    %broadcast_in_dim3A_579 = vector.shape_cast %reduce_max3A_578 : vector<512xf32> to vector<512x1xf32>
    %eq3A_580 = vector.broadcast %broadcast_in_dim3A_579 : vector<512x1xf32> to vector<512x8xf32>
    %eq3A_581 = arith.cmpf oeq, %select_n3A_576, %eq3A_580 : vector<512x8xf32>
    %jit3A_582 = arith.constant 1073741824 : i32
    %broadcast_in_dim3A_583 = vector.broadcast %jit3A_582 : i32 to vector<512x8xi32>
    %select_n3A_584 = arith.select %eq3A_581, %concatenate3A_544, %broadcast_in_dim3A_583 : vector<512x8xi1>, vector<512x8xi32>
    %reduce_min3A_585 = arith.constant dense<2147483647> : vector<512xi32>
    %reduce_min3A_586 = vector.multi_reduction <minsi>, %select_n3A_584, %reduce_min3A_585 [1] : vector<512x8xi32> to vector<512xi32>
    %broadcast_in_dim3A_587 = vector.shape_cast %reduce_min3A_586 : vector<512xi32> to vector<512x1xi32>
    %get3A_588 = arith.constant 6144 : index
    %get3A_589 = arith.constant 0 : index
    %get3A_590 = vector.load %arg4[%get3A_588, %get3A_589] : memref<10240x128xf32, #tpu.memory_space<vmem>>, vector<1024x128xf32>
    %dot_general3A_591 = arith.constant dense<0.000000e+00> : vector<512x1024xf32>
    %dot_general3A_592 = tpu.matmul %div3A_7, %get3A_590, %dot_general3A_591 {dimension_numbers = #tpu.dot_dimension_numbers<[1], [1], [0], [0], [0, 0, 1, 0], [], []>, transpose_lhs_hint = false} : vector<512x128xf32>, vector<1024x128xf32>, vector<512x1024xf32> -> vector<512x1024xf32>
    %reduce_max3A_593 = arith.constant dense<0xFF800000> : vector<512xf32>
    %reduce_max3A_594 = vector.multi_reduction <maximumf>, %dot_general3A_592, %reduce_max3A_593 [1] : vector<512x1024xf32> to vector<512xf32>
    %broadcast_in_dim3A_595 = vector.shape_cast %reduce_max3A_594 : vector<512xf32> to vector<512x1xf32>
    %eq3A_596 = vector.broadcast %broadcast_in_dim3A_595 : vector<512x1xf32> to vector<512x1024xf32>
    %eq3A_597 = arith.cmpf oeq, %dot_general3A_592, %eq3A_596 : vector<512x1024xf32>
    %jit3A_598 = arith.constant 1073741824 : i32
    %broadcast_in_dim3A_599 = vector.broadcast %jit3A_598 : i32 to vector<512x1024xi32>
    %select_n3A_600 = arith.select %eq3A_597, %iota3A, %broadcast_in_dim3A_599 : vector<512x1024xi1>, vector<512x1024xi32>
    %reduce_min3A_601 = arith.constant dense<2147483647> : vector<512xi32>
    %reduce_min3A_602 = vector.multi_reduction <minsi>, %select_n3A_600, %reduce_min3A_601 [1] : vector<512x1024xi32> to vector<512xi32>
    %broadcast_in_dim3A_603 = vector.shape_cast %reduce_min3A_602 : vector<512xi32> to vector<512x1xi32>
    %eq3A_604 = vector.broadcast %broadcast_in_dim3A_603 : vector<512x1xi32> to vector<512x1024xi32>
    %eq3A_605 = arith.cmpi eq, %iota3A, %eq3A_604 : vector<512x1024xi32>
    %jit3A_606 = arith.constant 0xFF800000 : f32
    %broadcast_in_dim3A_607 = vector.broadcast %jit3A_606 : f32 to vector<512x1024xf32>
    %select_n3A_608 = arith.select %eq3A_605, %broadcast_in_dim3A_607, %dot_general3A_592 : vector<512x1024xi1>, vector<512x1024xf32>
    %reduce_max3A_609 = arith.constant dense<0xFF800000> : vector<512xf32>
    %reduce_max3A_610 = vector.multi_reduction <maximumf>, %select_n3A_608, %reduce_max3A_609 [1] : vector<512x1024xf32> to vector<512xf32>
    %broadcast_in_dim3A_611 = vector.shape_cast %reduce_max3A_610 : vector<512xf32> to vector<512x1xf32>
    %eq3A_612 = vector.broadcast %broadcast_in_dim3A_611 : vector<512x1xf32> to vector<512x1024xf32>
    %eq3A_613 = arith.cmpf oeq, %select_n3A_608, %eq3A_612 : vector<512x1024xf32>
    %jit3A_614 = arith.constant 1073741824 : i32
    %broadcast_in_dim3A_615 = vector.broadcast %jit3A_614 : i32 to vector<512x1024xi32>
    %select_n3A_616 = arith.select %eq3A_613, %iota3A, %broadcast_in_dim3A_615 : vector<512x1024xi1>, vector<512x1024xi32>
    %reduce_min3A_617 = arith.constant dense<2147483647> : vector<512xi32>
    %reduce_min3A_618 = vector.multi_reduction <minsi>, %select_n3A_616, %reduce_min3A_617 [1] : vector<512x1024xi32> to vector<512xi32>
    %broadcast_in_dim3A_619 = vector.shape_cast %reduce_min3A_618 : vector<512xi32> to vector<512x1xi32>
    %eq3A_620 = vector.broadcast %broadcast_in_dim3A_619 : vector<512x1xi32> to vector<512x1024xi32>
    %eq3A_621 = arith.cmpi eq, %iota3A, %eq3A_620 : vector<512x1024xi32>
    %jit3A_622 = arith.constant 0xFF800000 : f32
    %broadcast_in_dim3A_623 = vector.broadcast %jit3A_622 : f32 to vector<512x1024xf32>
    %select_n3A_624 = arith.select %eq3A_621, %broadcast_in_dim3A_623, %select_n3A_608 : vector<512x1024xi1>, vector<512x1024xf32>
    %reduce_max3A_625 = arith.constant dense<0xFF800000> : vector<512xf32>
    %reduce_max3A_626 = vector.multi_reduction <maximumf>, %select_n3A_624, %reduce_max3A_625 [1] : vector<512x1024xf32> to vector<512xf32>
    %broadcast_in_dim3A_627 = vector.shape_cast %reduce_max3A_626 : vector<512xf32> to vector<512x1xf32>
    %eq3A_628 = vector.broadcast %broadcast_in_dim3A_627 : vector<512x1xf32> to vector<512x1024xf32>
    %eq3A_629 = arith.cmpf oeq, %select_n3A_624, %eq3A_628 : vector<512x1024xf32>
    %jit3A_630 = arith.constant 1073741824 : i32
    %broadcast_in_dim3A_631 = vector.broadcast %jit3A_630 : i32 to vector<512x1024xi32>
    %select_n3A_632 = arith.select %eq3A_629, %iota3A, %broadcast_in_dim3A_631 : vector<512x1024xi1>, vector<512x1024xi32>
    %reduce_min3A_633 = arith.constant dense<2147483647> : vector<512xi32>
    %reduce_min3A_634 = vector.multi_reduction <minsi>, %select_n3A_632, %reduce_min3A_633 [1] : vector<512x1024xi32> to vector<512xi32>
    %broadcast_in_dim3A_635 = vector.shape_cast %reduce_min3A_634 : vector<512xi32> to vector<512x1xi32>
    %add3A_636 = arith.constant 6144 : i32
    %add3A_637 = vector.broadcast %add3A_636 : i32 to vector<512x1xi32>
    %add3A_638 = arith.addi %broadcast_in_dim3A_603, %add3A_637 : vector<512x1xi32>
    %add3A_639 = arith.constant 6144 : i32
    %add3A_640 = vector.broadcast %add3A_639 : i32 to vector<512x1xi32>
    %add3A_641 = arith.addi %broadcast_in_dim3A_619, %add3A_640 : vector<512x1xi32>
    %add3A_642 = arith.constant 6144 : i32
    %add3A_643 = vector.broadcast %add3A_642 : i32 to vector<512x1xi32>
    %add3A_644 = arith.addi %broadcast_in_dim3A_635, %add3A_643 : vector<512x1xi32>
    %broadcast_in_dim3A_645 = arith.constant 0xFF800000 : f32
    %broadcast_in_dim3A_646 = vector.broadcast %broadcast_in_dim3A_645 : f32 to vector<512x1xf32>
    %broadcast_in_dim3A_647 = arith.constant 1073741824 : i32
    %broadcast_in_dim3A_648 = vector.broadcast %broadcast_in_dim3A_647 : i32 to vector<512x1xi32>
    %concatenate3A_649 = tpu.concatenate %broadcast_in_dim3A_547, %broadcast_in_dim3A_563, %broadcast_in_dim3A_579, %broadcast_in_dim3A_595, %broadcast_in_dim3A_611, %broadcast_in_dim3A_627, %broadcast_in_dim3A_646, %broadcast_in_dim3A_646 in 1 : vector<512x1xf32>, vector<512x1xf32>, vector<512x1xf32>, vector<512x1xf32>, vector<512x1xf32>, vector<512x1xf32>, vector<512x1xf32>, vector<512x1xf32> -> vector<512x8xf32>
    %concatenate3A_650 = tpu.concatenate %broadcast_in_dim3A_555, %broadcast_in_dim3A_571, %broadcast_in_dim3A_587, %add3A_638, %add3A_641, %add3A_644, %broadcast_in_dim3A_648, %broadcast_in_dim3A_648 in 1 : vector<512x1xi32>, vector<512x1xi32>, vector<512x1xi32>, vector<512x1xi32>, vector<512x1xi32>, vector<512x1xi32>, vector<512x1xi32>, vector<512x1xi32> -> vector<512x8xi32>
    %reduce_max3A_651 = arith.constant dense<0xFF800000> : vector<512xf32>
    %reduce_max3A_652 = vector.multi_reduction <maximumf>, %concatenate3A_649, %reduce_max3A_651 [1] : vector<512x8xf32> to vector<512xf32>
    %broadcast_in_dim3A_653 = vector.shape_cast %reduce_max3A_652 : vector<512xf32> to vector<512x1xf32>
    %eq3A_654 = vector.broadcast %broadcast_in_dim3A_653 : vector<512x1xf32> to vector<512x8xf32>
    %eq3A_655 = arith.cmpf oeq, %concatenate3A_649, %eq3A_654 : vector<512x8xf32>
    %jit3A_656 = arith.constant 1073741824 : i32
    %broadcast_in_dim3A_657 = vector.broadcast %jit3A_656 : i32 to vector<512x8xi32>
    %select_n3A_658 = arith.select %eq3A_655, %concatenate3A_650, %broadcast_in_dim3A_657 : vector<512x8xi1>, vector<512x8xi32>
    %reduce_min3A_659 = arith.constant dense<2147483647> : vector<512xi32>
    %reduce_min3A_660 = vector.multi_reduction <minsi>, %select_n3A_658, %reduce_min3A_659 [1] : vector<512x8xi32> to vector<512xi32>
    %broadcast_in_dim3A_661 = vector.shape_cast %reduce_min3A_660 : vector<512xi32> to vector<512x1xi32>
    %eq3A_662 = vector.broadcast %broadcast_in_dim3A_661 : vector<512x1xi32> to vector<512x8xi32>
    %eq3A_663 = arith.cmpi eq, %concatenate3A_650, %eq3A_662 : vector<512x8xi32>
    %jit3A_664 = arith.constant 0xFF800000 : f32
    %broadcast_in_dim3A_665 = vector.broadcast %jit3A_664 : f32 to vector<512x8xf32>
    %select_n3A_666 = arith.select %eq3A_663, %broadcast_in_dim3A_665, %concatenate3A_649 : vector<512x8xi1>, vector<512x8xf32>
    %reduce_max3A_667 = arith.constant dense<0xFF800000> : vector<512xf32>
    %reduce_max3A_668 = vector.multi_reduction <maximumf>, %select_n3A_666, %reduce_max3A_667 [1] : vector<512x8xf32> to vector<512xf32>
    %broadcast_in_dim3A_669 = vector.shape_cast %reduce_max3A_668 : vector<512xf32> to vector<512x1xf32>
    %eq3A_670 = vector.broadcast %broadcast_in_dim3A_669 : vector<512x1xf32> to vector<512x8xf32>
    %eq3A_671 = arith.cmpf oeq, %select_n3A_666, %eq3A_670 : vector<512x8xf32>
    %jit3A_672 = arith.constant 1073741824 : i32
    %broadcast_in_dim3A_673 = vector.broadcast %jit3A_672 : i32 to vector<512x8xi32>
    %select_n3A_674 = arith.select %eq3A_671, %concatenate3A_650, %broadcast_in_dim3A_673 : vector<512x8xi1>, vector<512x8xi32>
    %reduce_min3A_675 = arith.constant dense<2147483647> : vector<512xi32>
    %reduce_min3A_676 = vector.multi_reduction <minsi>, %select_n3A_674, %reduce_min3A_675 [1] : vector<512x8xi32> to vector<512xi32>
    %broadcast_in_dim3A_677 = vector.shape_cast %reduce_min3A_676 : vector<512xi32> to vector<512x1xi32>
    %eq3A_678 = vector.broadcast %broadcast_in_dim3A_677 : vector<512x1xi32> to vector<512x8xi32>
    %eq3A_679 = arith.cmpi eq, %concatenate3A_650, %eq3A_678 : vector<512x8xi32>
    %jit3A_680 = arith.constant 0xFF800000 : f32
    %broadcast_in_dim3A_681 = vector.broadcast %jit3A_680 : f32 to vector<512x8xf32>
    %select_n3A_682 = arith.select %eq3A_679, %broadcast_in_dim3A_681, %select_n3A_666 : vector<512x8xi1>, vector<512x8xf32>
    %reduce_max3A_683 = arith.constant dense<0xFF800000> : vector<512xf32>
    %reduce_max3A_684 = vector.multi_reduction <maximumf>, %select_n3A_682, %reduce_max3A_683 [1] : vector<512x8xf32> to vector<512xf32>
    %broadcast_in_dim3A_685 = vector.shape_cast %reduce_max3A_684 : vector<512xf32> to vector<512x1xf32>
    %eq3A_686 = vector.broadcast %broadcast_in_dim3A_685 : vector<512x1xf32> to vector<512x8xf32>
    %eq3A_687 = arith.cmpf oeq, %select_n3A_682, %eq3A_686 : vector<512x8xf32>
    %jit3A_688 = arith.constant 1073741824 : i32
    %broadcast_in_dim3A_689 = vector.broadcast %jit3A_688 : i32 to vector<512x8xi32>
    %select_n3A_690 = arith.select %eq3A_687, %concatenate3A_650, %broadcast_in_dim3A_689 : vector<512x8xi1>, vector<512x8xi32>
    %reduce_min3A_691 = arith.constant dense<2147483647> : vector<512xi32>
    %reduce_min3A_692 = vector.multi_reduction <minsi>, %select_n3A_690, %reduce_min3A_691 [1] : vector<512x8xi32> to vector<512xi32>
    %broadcast_in_dim3A_693 = vector.shape_cast %reduce_min3A_692 : vector<512xi32> to vector<512x1xi32>
    %get3A_694 = arith.constant 7168 : index
    %get3A_695 = arith.constant 0 : index
    %get3A_696 = vector.load %arg4[%get3A_694, %get3A_695] : memref<10240x128xf32, #tpu.memory_space<vmem>>, vector<1024x128xf32>
    %dot_general3A_697 = arith.constant dense<0.000000e+00> : vector<512x1024xf32>
    %dot_general3A_698 = tpu.matmul %div3A_7, %get3A_696, %dot_general3A_697 {dimension_numbers = #tpu.dot_dimension_numbers<[1], [1], [0], [0], [0, 0, 1, 0], [], []>, transpose_lhs_hint = false} : vector<512x128xf32>, vector<1024x128xf32>, vector<512x1024xf32> -> vector<512x1024xf32>
    %reduce_max3A_699 = arith.constant dense<0xFF800000> : vector<512xf32>
    %reduce_max3A_700 = vector.multi_reduction <maximumf>, %dot_general3A_698, %reduce_max3A_699 [1] : vector<512x1024xf32> to vector<512xf32>
    %broadcast_in_dim3A_701 = vector.shape_cast %reduce_max3A_700 : vector<512xf32> to vector<512x1xf32>
    %eq3A_702 = vector.broadcast %broadcast_in_dim3A_701 : vector<512x1xf32> to vector<512x1024xf32>
    %eq3A_703 = arith.cmpf oeq, %dot_general3A_698, %eq3A_702 : vector<512x1024xf32>
    %jit3A_704 = arith.constant 1073741824 : i32
    %broadcast_in_dim3A_705 = vector.broadcast %jit3A_704 : i32 to vector<512x1024xi32>
    %select_n3A_706 = arith.select %eq3A_703, %iota3A, %broadcast_in_dim3A_705 : vector<512x1024xi1>, vector<512x1024xi32>
    %reduce_min3A_707 = arith.constant dense<2147483647> : vector<512xi32>
    %reduce_min3A_708 = vector.multi_reduction <minsi>, %select_n3A_706, %reduce_min3A_707 [1] : vector<512x1024xi32> to vector<512xi32>
    %broadcast_in_dim3A_709 = vector.shape_cast %reduce_min3A_708 : vector<512xi32> to vector<512x1xi32>
    %eq3A_710 = vector.broadcast %broadcast_in_dim3A_709 : vector<512x1xi32> to vector<512x1024xi32>
    %eq3A_711 = arith.cmpi eq, %iota3A, %eq3A_710 : vector<512x1024xi32>
    %jit3A_712 = arith.constant 0xFF800000 : f32
    %broadcast_in_dim3A_713 = vector.broadcast %jit3A_712 : f32 to vector<512x1024xf32>
    %select_n3A_714 = arith.select %eq3A_711, %broadcast_in_dim3A_713, %dot_general3A_698 : vector<512x1024xi1>, vector<512x1024xf32>
    %reduce_max3A_715 = arith.constant dense<0xFF800000> : vector<512xf32>
    %reduce_max3A_716 = vector.multi_reduction <maximumf>, %select_n3A_714, %reduce_max3A_715 [1] : vector<512x1024xf32> to vector<512xf32>
    %broadcast_in_dim3A_717 = vector.shape_cast %reduce_max3A_716 : vector<512xf32> to vector<512x1xf32>
    %eq3A_718 = vector.broadcast %broadcast_in_dim3A_717 : vector<512x1xf32> to vector<512x1024xf32>
    %eq3A_719 = arith.cmpf oeq, %select_n3A_714, %eq3A_718 : vector<512x1024xf32>
    %jit3A_720 = arith.constant 1073741824 : i32
    %broadcast_in_dim3A_721 = vector.broadcast %jit3A_720 : i32 to vector<512x1024xi32>
    %select_n3A_722 = arith.select %eq3A_719, %iota3A, %broadcast_in_dim3A_721 : vector<512x1024xi1>, vector<512x1024xi32>
    %reduce_min3A_723 = arith.constant dense<2147483647> : vector<512xi32>
    %reduce_min3A_724 = vector.multi_reduction <minsi>, %select_n3A_722, %reduce_min3A_723 [1] : vector<512x1024xi32> to vector<512xi32>
    %broadcast_in_dim3A_725 = vector.shape_cast %reduce_min3A_724 : vector<512xi32> to vector<512x1xi32>
    %eq3A_726 = vector.broadcast %broadcast_in_dim3A_725 : vector<512x1xi32> to vector<512x1024xi32>
    %eq3A_727 = arith.cmpi eq, %iota3A, %eq3A_726 : vector<512x1024xi32>
    %jit3A_728 = arith.constant 0xFF800000 : f32
    %broadcast_in_dim3A_729 = vector.broadcast %jit3A_728 : f32 to vector<512x1024xf32>
    %select_n3A_730 = arith.select %eq3A_727, %broadcast_in_dim3A_729, %select_n3A_714 : vector<512x1024xi1>, vector<512x1024xf32>
    %reduce_max3A_731 = arith.constant dense<0xFF800000> : vector<512xf32>
    %reduce_max3A_732 = vector.multi_reduction <maximumf>, %select_n3A_730, %reduce_max3A_731 [1] : vector<512x1024xf32> to vector<512xf32>
    %broadcast_in_dim3A_733 = vector.shape_cast %reduce_max3A_732 : vector<512xf32> to vector<512x1xf32>
    %eq3A_734 = vector.broadcast %broadcast_in_dim3A_733 : vector<512x1xf32> to vector<512x1024xf32>
    %eq3A_735 = arith.cmpf oeq, %select_n3A_730, %eq3A_734 : vector<512x1024xf32>
    %jit3A_736 = arith.constant 1073741824 : i32
    %broadcast_in_dim3A_737 = vector.broadcast %jit3A_736 : i32 to vector<512x1024xi32>
    %select_n3A_738 = arith.select %eq3A_735, %iota3A, %broadcast_in_dim3A_737 : vector<512x1024xi1>, vector<512x1024xi32>
    %reduce_min3A_739 = arith.constant dense<2147483647> : vector<512xi32>
    %reduce_min3A_740 = vector.multi_reduction <minsi>, %select_n3A_738, %reduce_min3A_739 [1] : vector<512x1024xi32> to vector<512xi32>
    %broadcast_in_dim3A_741 = vector.shape_cast %reduce_min3A_740 : vector<512xi32> to vector<512x1xi32>
    %add3A_742 = arith.constant 7168 : i32
    %add3A_743 = vector.broadcast %add3A_742 : i32 to vector<512x1xi32>
    %add3A_744 = arith.addi %broadcast_in_dim3A_709, %add3A_743 : vector<512x1xi32>
    %add3A_745 = arith.constant 7168 : i32
    %add3A_746 = vector.broadcast %add3A_745 : i32 to vector<512x1xi32>
    %add3A_747 = arith.addi %broadcast_in_dim3A_725, %add3A_746 : vector<512x1xi32>
    %add3A_748 = arith.constant 7168 : i32
    %add3A_749 = vector.broadcast %add3A_748 : i32 to vector<512x1xi32>
    %add3A_750 = arith.addi %broadcast_in_dim3A_741, %add3A_749 : vector<512x1xi32>
    %broadcast_in_dim3A_751 = arith.constant 0xFF800000 : f32
    %broadcast_in_dim3A_752 = vector.broadcast %broadcast_in_dim3A_751 : f32 to vector<512x1xf32>
    %broadcast_in_dim3A_753 = arith.constant 1073741824 : i32
    %broadcast_in_dim3A_754 = vector.broadcast %broadcast_in_dim3A_753 : i32 to vector<512x1xi32>
    %concatenate3A_755 = tpu.concatenate %broadcast_in_dim3A_653, %broadcast_in_dim3A_669, %broadcast_in_dim3A_685, %broadcast_in_dim3A_701, %broadcast_in_dim3A_717, %broadcast_in_dim3A_733, %broadcast_in_dim3A_752, %broadcast_in_dim3A_752 in 1 : vector<512x1xf32>, vector<512x1xf32>, vector<512x1xf32>, vector<512x1xf32>, vector<512x1xf32>, vector<512x1xf32>, vector<512x1xf32>, vector<512x1xf32> -> vector<512x8xf32>
    %concatenate3A_756 = tpu.concatenate %broadcast_in_dim3A_661, %broadcast_in_dim3A_677, %broadcast_in_dim3A_693, %add3A_744, %add3A_747, %add3A_750, %broadcast_in_dim3A_754, %broadcast_in_dim3A_754 in 1 : vector<512x1xi32>, vector<512x1xi32>, vector<512x1xi32>, vector<512x1xi32>, vector<512x1xi32>, vector<512x1xi32>, vector<512x1xi32>, vector<512x1xi32> -> vector<512x8xi32>
    %reduce_max3A_757 = arith.constant dense<0xFF800000> : vector<512xf32>
    %reduce_max3A_758 = vector.multi_reduction <maximumf>, %concatenate3A_755, %reduce_max3A_757 [1] : vector<512x8xf32> to vector<512xf32>
    %broadcast_in_dim3A_759 = vector.shape_cast %reduce_max3A_758 : vector<512xf32> to vector<512x1xf32>
    %eq3A_760 = vector.broadcast %broadcast_in_dim3A_759 : vector<512x1xf32> to vector<512x8xf32>
    %eq3A_761 = arith.cmpf oeq, %concatenate3A_755, %eq3A_760 : vector<512x8xf32>
    %jit3A_762 = arith.constant 1073741824 : i32
    %broadcast_in_dim3A_763 = vector.broadcast %jit3A_762 : i32 to vector<512x8xi32>
    %select_n3A_764 = arith.select %eq3A_761, %concatenate3A_756, %broadcast_in_dim3A_763 : vector<512x8xi1>, vector<512x8xi32>
    %reduce_min3A_765 = arith.constant dense<2147483647> : vector<512xi32>
    %reduce_min3A_766 = vector.multi_reduction <minsi>, %select_n3A_764, %reduce_min3A_765 [1] : vector<512x8xi32> to vector<512xi32>
    %broadcast_in_dim3A_767 = vector.shape_cast %reduce_min3A_766 : vector<512xi32> to vector<512x1xi32>
    %eq3A_768 = vector.broadcast %broadcast_in_dim3A_767 : vector<512x1xi32> to vector<512x8xi32>
    %eq3A_769 = arith.cmpi eq, %concatenate3A_756, %eq3A_768 : vector<512x8xi32>
    %jit3A_770 = arith.constant 0xFF800000 : f32
    %broadcast_in_dim3A_771 = vector.broadcast %jit3A_770 : f32 to vector<512x8xf32>
    %select_n3A_772 = arith.select %eq3A_769, %broadcast_in_dim3A_771, %concatenate3A_755 : vector<512x8xi1>, vector<512x8xf32>
    %reduce_max3A_773 = arith.constant dense<0xFF800000> : vector<512xf32>
    %reduce_max3A_774 = vector.multi_reduction <maximumf>, %select_n3A_772, %reduce_max3A_773 [1] : vector<512x8xf32> to vector<512xf32>
    %broadcast_in_dim3A_775 = vector.shape_cast %reduce_max3A_774 : vector<512xf32> to vector<512x1xf32>
    %eq3A_776 = vector.broadcast %broadcast_in_dim3A_775 : vector<512x1xf32> to vector<512x8xf32>
    %eq3A_777 = arith.cmpf oeq, %select_n3A_772, %eq3A_776 : vector<512x8xf32>
    %jit3A_778 = arith.constant 1073741824 : i32
    %broadcast_in_dim3A_779 = vector.broadcast %jit3A_778 : i32 to vector<512x8xi32>
    %select_n3A_780 = arith.select %eq3A_777, %concatenate3A_756, %broadcast_in_dim3A_779 : vector<512x8xi1>, vector<512x8xi32>
    %reduce_min3A_781 = arith.constant dense<2147483647> : vector<512xi32>
    %reduce_min3A_782 = vector.multi_reduction <minsi>, %select_n3A_780, %reduce_min3A_781 [1] : vector<512x8xi32> to vector<512xi32>
    %broadcast_in_dim3A_783 = vector.shape_cast %reduce_min3A_782 : vector<512xi32> to vector<512x1xi32>
    %eq3A_784 = vector.broadcast %broadcast_in_dim3A_783 : vector<512x1xi32> to vector<512x8xi32>
    %eq3A_785 = arith.cmpi eq, %concatenate3A_756, %eq3A_784 : vector<512x8xi32>
    %jit3A_786 = arith.constant 0xFF800000 : f32
    %broadcast_in_dim3A_787 = vector.broadcast %jit3A_786 : f32 to vector<512x8xf32>
    %select_n3A_788 = arith.select %eq3A_785, %broadcast_in_dim3A_787, %select_n3A_772 : vector<512x8xi1>, vector<512x8xf32>
    %reduce_max3A_789 = arith.constant dense<0xFF800000> : vector<512xf32>
    %reduce_max3A_790 = vector.multi_reduction <maximumf>, %select_n3A_788, %reduce_max3A_789 [1] : vector<512x8xf32> to vector<512xf32>
    %broadcast_in_dim3A_791 = vector.shape_cast %reduce_max3A_790 : vector<512xf32> to vector<512x1xf32>
    %eq3A_792 = vector.broadcast %broadcast_in_dim3A_791 : vector<512x1xf32> to vector<512x8xf32>
    %eq3A_793 = arith.cmpf oeq, %select_n3A_788, %eq3A_792 : vector<512x8xf32>
    %jit3A_794 = arith.constant 1073741824 : i32
    %broadcast_in_dim3A_795 = vector.broadcast %jit3A_794 : i32 to vector<512x8xi32>
    %select_n3A_796 = arith.select %eq3A_793, %concatenate3A_756, %broadcast_in_dim3A_795 : vector<512x8xi1>, vector<512x8xi32>
    %reduce_min3A_797 = arith.constant dense<2147483647> : vector<512xi32>
    %reduce_min3A_798 = vector.multi_reduction <minsi>, %select_n3A_796, %reduce_min3A_797 [1] : vector<512x8xi32> to vector<512xi32>
    %broadcast_in_dim3A_799 = vector.shape_cast %reduce_min3A_798 : vector<512xi32> to vector<512x1xi32>
    %get3A_800 = arith.constant 8192 : index
    %get3A_801 = arith.constant 0 : index
    %get3A_802 = vector.load %arg4[%get3A_800, %get3A_801] : memref<10240x128xf32, #tpu.memory_space<vmem>>, vector<1024x128xf32>
    %dot_general3A_803 = arith.constant dense<0.000000e+00> : vector<512x1024xf32>
    %dot_general3A_804 = tpu.matmul %div3A_7, %get3A_802, %dot_general3A_803 {dimension_numbers = #tpu.dot_dimension_numbers<[1], [1], [0], [0], [0, 0, 1, 0], [], []>, transpose_lhs_hint = false} : vector<512x128xf32>, vector<1024x128xf32>, vector<512x1024xf32> -> vector<512x1024xf32>
    %reduce_max3A_805 = arith.constant dense<0xFF800000> : vector<512xf32>
    %reduce_max3A_806 = vector.multi_reduction <maximumf>, %dot_general3A_804, %reduce_max3A_805 [1] : vector<512x1024xf32> to vector<512xf32>
    %broadcast_in_dim3A_807 = vector.shape_cast %reduce_max3A_806 : vector<512xf32> to vector<512x1xf32>
    %eq3A_808 = vector.broadcast %broadcast_in_dim3A_807 : vector<512x1xf32> to vector<512x1024xf32>
    %eq3A_809 = arith.cmpf oeq, %dot_general3A_804, %eq3A_808 : vector<512x1024xf32>
    %jit3A_810 = arith.constant 1073741824 : i32
    %broadcast_in_dim3A_811 = vector.broadcast %jit3A_810 : i32 to vector<512x1024xi32>
    %select_n3A_812 = arith.select %eq3A_809, %iota3A, %broadcast_in_dim3A_811 : vector<512x1024xi1>, vector<512x1024xi32>
    %reduce_min3A_813 = arith.constant dense<2147483647> : vector<512xi32>
    %reduce_min3A_814 = vector.multi_reduction <minsi>, %select_n3A_812, %reduce_min3A_813 [1] : vector<512x1024xi32> to vector<512xi32>
    %broadcast_in_dim3A_815 = vector.shape_cast %reduce_min3A_814 : vector<512xi32> to vector<512x1xi32>
    %eq3A_816 = vector.broadcast %broadcast_in_dim3A_815 : vector<512x1xi32> to vector<512x1024xi32>
    %eq3A_817 = arith.cmpi eq, %iota3A, %eq3A_816 : vector<512x1024xi32>
    %jit3A_818 = arith.constant 0xFF800000 : f32
    %broadcast_in_dim3A_819 = vector.broadcast %jit3A_818 : f32 to vector<512x1024xf32>
    %select_n3A_820 = arith.select %eq3A_817, %broadcast_in_dim3A_819, %dot_general3A_804 : vector<512x1024xi1>, vector<512x1024xf32>
    %reduce_max3A_821 = arith.constant dense<0xFF800000> : vector<512xf32>
    %reduce_max3A_822 = vector.multi_reduction <maximumf>, %select_n3A_820, %reduce_max3A_821 [1] : vector<512x1024xf32> to vector<512xf32>
    %broadcast_in_dim3A_823 = vector.shape_cast %reduce_max3A_822 : vector<512xf32> to vector<512x1xf32>
    %eq3A_824 = vector.broadcast %broadcast_in_dim3A_823 : vector<512x1xf32> to vector<512x1024xf32>
    %eq3A_825 = arith.cmpf oeq, %select_n3A_820, %eq3A_824 : vector<512x1024xf32>
    %jit3A_826 = arith.constant 1073741824 : i32
    %broadcast_in_dim3A_827 = vector.broadcast %jit3A_826 : i32 to vector<512x1024xi32>
    %select_n3A_828 = arith.select %eq3A_825, %iota3A, %broadcast_in_dim3A_827 : vector<512x1024xi1>, vector<512x1024xi32>
    %reduce_min3A_829 = arith.constant dense<2147483647> : vector<512xi32>
    %reduce_min3A_830 = vector.multi_reduction <minsi>, %select_n3A_828, %reduce_min3A_829 [1] : vector<512x1024xi32> to vector<512xi32>
    %broadcast_in_dim3A_831 = vector.shape_cast %reduce_min3A_830 : vector<512xi32> to vector<512x1xi32>
    %eq3A_832 = vector.broadcast %broadcast_in_dim3A_831 : vector<512x1xi32> to vector<512x1024xi32>
    %eq3A_833 = arith.cmpi eq, %iota3A, %eq3A_832 : vector<512x1024xi32>
    %jit3A_834 = arith.constant 0xFF800000 : f32
    %broadcast_in_dim3A_835 = vector.broadcast %jit3A_834 : f32 to vector<512x1024xf32>
    %select_n3A_836 = arith.select %eq3A_833, %broadcast_in_dim3A_835, %select_n3A_820 : vector<512x1024xi1>, vector<512x1024xf32>
    %reduce_max3A_837 = arith.constant dense<0xFF800000> : vector<512xf32>
    %reduce_max3A_838 = vector.multi_reduction <maximumf>, %select_n3A_836, %reduce_max3A_837 [1] : vector<512x1024xf32> to vector<512xf32>
    %broadcast_in_dim3A_839 = vector.shape_cast %reduce_max3A_838 : vector<512xf32> to vector<512x1xf32>
    %eq3A_840 = vector.broadcast %broadcast_in_dim3A_839 : vector<512x1xf32> to vector<512x1024xf32>
    %eq3A_841 = arith.cmpf oeq, %select_n3A_836, %eq3A_840 : vector<512x1024xf32>
    %jit3A_842 = arith.constant 1073741824 : i32
    %broadcast_in_dim3A_843 = vector.broadcast %jit3A_842 : i32 to vector<512x1024xi32>
    %select_n3A_844 = arith.select %eq3A_841, %iota3A, %broadcast_in_dim3A_843 : vector<512x1024xi1>, vector<512x1024xi32>
    %reduce_min3A_845 = arith.constant dense<2147483647> : vector<512xi32>
    %reduce_min3A_846 = vector.multi_reduction <minsi>, %select_n3A_844, %reduce_min3A_845 [1] : vector<512x1024xi32> to vector<512xi32>
    %broadcast_in_dim3A_847 = vector.shape_cast %reduce_min3A_846 : vector<512xi32> to vector<512x1xi32>
    %add3A_848 = arith.constant 8192 : i32
    %add3A_849 = vector.broadcast %add3A_848 : i32 to vector<512x1xi32>
    %add3A_850 = arith.addi %broadcast_in_dim3A_815, %add3A_849 : vector<512x1xi32>
    %add3A_851 = arith.constant 8192 : i32
    %add3A_852 = vector.broadcast %add3A_851 : i32 to vector<512x1xi32>
    %add3A_853 = arith.addi %broadcast_in_dim3A_831, %add3A_852 : vector<512x1xi32>
    %add3A_854 = arith.constant 8192 : i32
    %add3A_855 = vector.broadcast %add3A_854 : i32 to vector<512x1xi32>
    %add3A_856 = arith.addi %broadcast_in_dim3A_847, %add3A_855 : vector<512x1xi32>
    %broadcast_in_dim3A_857 = arith.constant 0xFF800000 : f32
    %broadcast_in_dim3A_858 = vector.broadcast %broadcast_in_dim3A_857 : f32 to vector<512x1xf32>
    %broadcast_in_dim3A_859 = arith.constant 1073741824 : i32
    %broadcast_in_dim3A_860 = vector.broadcast %broadcast_in_dim3A_859 : i32 to vector<512x1xi32>
    %concatenate3A_861 = tpu.concatenate %broadcast_in_dim3A_759, %broadcast_in_dim3A_775, %broadcast_in_dim3A_791, %broadcast_in_dim3A_807, %broadcast_in_dim3A_823, %broadcast_in_dim3A_839, %broadcast_in_dim3A_858, %broadcast_in_dim3A_858 in 1 : vector<512x1xf32>, vector<512x1xf32>, vector<512x1xf32>, vector<512x1xf32>, vector<512x1xf32>, vector<512x1xf32>, vector<512x1xf32>, vector<512x1xf32> -> vector<512x8xf32>
    %concatenate3A_862 = tpu.concatenate %broadcast_in_dim3A_767, %broadcast_in_dim3A_783, %broadcast_in_dim3A_799, %add3A_850, %add3A_853, %add3A_856, %broadcast_in_dim3A_860, %broadcast_in_dim3A_860 in 1 : vector<512x1xi32>, vector<512x1xi32>, vector<512x1xi32>, vector<512x1xi32>, vector<512x1xi32>, vector<512x1xi32>, vector<512x1xi32>, vector<512x1xi32> -> vector<512x8xi32>
    %reduce_max3A_863 = arith.constant dense<0xFF800000> : vector<512xf32>
    %reduce_max3A_864 = vector.multi_reduction <maximumf>, %concatenate3A_861, %reduce_max3A_863 [1] : vector<512x8xf32> to vector<512xf32>
    %broadcast_in_dim3A_865 = vector.shape_cast %reduce_max3A_864 : vector<512xf32> to vector<512x1xf32>
    %eq3A_866 = vector.broadcast %broadcast_in_dim3A_865 : vector<512x1xf32> to vector<512x8xf32>
    %eq3A_867 = arith.cmpf oeq, %concatenate3A_861, %eq3A_866 : vector<512x8xf32>
    %jit3A_868 = arith.constant 1073741824 : i32
    %broadcast_in_dim3A_869 = vector.broadcast %jit3A_868 : i32 to vector<512x8xi32>
    %select_n3A_870 = arith.select %eq3A_867, %concatenate3A_862, %broadcast_in_dim3A_869 : vector<512x8xi1>, vector<512x8xi32>
    %reduce_min3A_871 = arith.constant dense<2147483647> : vector<512xi32>
    %reduce_min3A_872 = vector.multi_reduction <minsi>, %select_n3A_870, %reduce_min3A_871 [1] : vector<512x8xi32> to vector<512xi32>
    %broadcast_in_dim3A_873 = vector.shape_cast %reduce_min3A_872 : vector<512xi32> to vector<512x1xi32>
    %eq3A_874 = vector.broadcast %broadcast_in_dim3A_873 : vector<512x1xi32> to vector<512x8xi32>
    %eq3A_875 = arith.cmpi eq, %concatenate3A_862, %eq3A_874 : vector<512x8xi32>
    %jit3A_876 = arith.constant 0xFF800000 : f32
    %broadcast_in_dim3A_877 = vector.broadcast %jit3A_876 : f32 to vector<512x8xf32>
    %select_n3A_878 = arith.select %eq3A_875, %broadcast_in_dim3A_877, %concatenate3A_861 : vector<512x8xi1>, vector<512x8xf32>
    %reduce_max3A_879 = arith.constant dense<0xFF800000> : vector<512xf32>
    %reduce_max3A_880 = vector.multi_reduction <maximumf>, %select_n3A_878, %reduce_max3A_879 [1] : vector<512x8xf32> to vector<512xf32>
    %broadcast_in_dim3A_881 = vector.shape_cast %reduce_max3A_880 : vector<512xf32> to vector<512x1xf32>
    %eq3A_882 = vector.broadcast %broadcast_in_dim3A_881 : vector<512x1xf32> to vector<512x8xf32>
    %eq3A_883 = arith.cmpf oeq, %select_n3A_878, %eq3A_882 : vector<512x8xf32>
    %jit3A_884 = arith.constant 1073741824 : i32
    %broadcast_in_dim3A_885 = vector.broadcast %jit3A_884 : i32 to vector<512x8xi32>
    %select_n3A_886 = arith.select %eq3A_883, %concatenate3A_862, %broadcast_in_dim3A_885 : vector<512x8xi1>, vector<512x8xi32>
    %reduce_min3A_887 = arith.constant dense<2147483647> : vector<512xi32>
    %reduce_min3A_888 = vector.multi_reduction <minsi>, %select_n3A_886, %reduce_min3A_887 [1] : vector<512x8xi32> to vector<512xi32>
    %broadcast_in_dim3A_889 = vector.shape_cast %reduce_min3A_888 : vector<512xi32> to vector<512x1xi32>
    %eq3A_890 = vector.broadcast %broadcast_in_dim3A_889 : vector<512x1xi32> to vector<512x8xi32>
    %eq3A_891 = arith.cmpi eq, %concatenate3A_862, %eq3A_890 : vector<512x8xi32>
    %jit3A_892 = arith.constant 0xFF800000 : f32
    %broadcast_in_dim3A_893 = vector.broadcast %jit3A_892 : f32 to vector<512x8xf32>
    %select_n3A_894 = arith.select %eq3A_891, %broadcast_in_dim3A_893, %select_n3A_878 : vector<512x8xi1>, vector<512x8xf32>
    %reduce_max3A_895 = arith.constant dense<0xFF800000> : vector<512xf32>
    %reduce_max3A_896 = vector.multi_reduction <maximumf>, %select_n3A_894, %reduce_max3A_895 [1] : vector<512x8xf32> to vector<512xf32>
    %broadcast_in_dim3A_897 = vector.shape_cast %reduce_max3A_896 : vector<512xf32> to vector<512x1xf32>
    %eq3A_898 = vector.broadcast %broadcast_in_dim3A_897 : vector<512x1xf32> to vector<512x8xf32>
    %eq3A_899 = arith.cmpf oeq, %select_n3A_894, %eq3A_898 : vector<512x8xf32>
    %jit3A_900 = arith.constant 1073741824 : i32
    %broadcast_in_dim3A_901 = vector.broadcast %jit3A_900 : i32 to vector<512x8xi32>
    %select_n3A_902 = arith.select %eq3A_899, %concatenate3A_862, %broadcast_in_dim3A_901 : vector<512x8xi1>, vector<512x8xi32>
    %reduce_min3A_903 = arith.constant dense<2147483647> : vector<512xi32>
    %reduce_min3A_904 = vector.multi_reduction <minsi>, %select_n3A_902, %reduce_min3A_903 [1] : vector<512x8xi32> to vector<512xi32>
    %broadcast_in_dim3A_905 = vector.shape_cast %reduce_min3A_904 : vector<512xi32> to vector<512x1xi32>
    %get3A_906 = arith.constant 9216 : index
    %get3A_907 = arith.constant 0 : index
    %get3A_908 = vector.load %arg4[%get3A_906, %get3A_907] : memref<10240x128xf32, #tpu.memory_space<vmem>>, vector<1024x128xf32>
    %dot_general3A_909 = arith.constant dense<0.000000e+00> : vector<512x1024xf32>
    %dot_general3A_910 = tpu.matmul %div3A_7, %get3A_908, %dot_general3A_909 {dimension_numbers = #tpu.dot_dimension_numbers<[1], [1], [0], [0], [0, 0, 1, 0], [], []>, transpose_lhs_hint = false} : vector<512x128xf32>, vector<1024x128xf32>, vector<512x1024xf32> -> vector<512x1024xf32>
    %lt3A = arith.constant 784 : i32
    %lt3A_911 = vector.broadcast %lt3A : i32 to vector<512x1024xi32>
    %lt3A_912 = arith.cmpi slt, %iota3A, %lt3A_911 : vector<512x1024xi32>
    %jit3A_913 = arith.constant 0xFF800000 : f32
    %broadcast_in_dim3A_914 = vector.broadcast %jit3A_913 : f32 to vector<512x1024xf32>
    %select_n3A_915 = arith.select %lt3A_912, %dot_general3A_910, %broadcast_in_dim3A_914 : vector<512x1024xi1>, vector<512x1024xf32>
    %reduce_max3A_916 = arith.constant dense<0xFF800000> : vector<512xf32>
    %reduce_max3A_917 = vector.multi_reduction <maximumf>, %select_n3A_915, %reduce_max3A_916 [1] : vector<512x1024xf32> to vector<512xf32>
    %broadcast_in_dim3A_918 = vector.shape_cast %reduce_max3A_917 : vector<512xf32> to vector<512x1xf32>
    %eq3A_919 = vector.broadcast %broadcast_in_dim3A_918 : vector<512x1xf32> to vector<512x1024xf32>
    %eq3A_920 = arith.cmpf oeq, %select_n3A_915, %eq3A_919 : vector<512x1024xf32>
    %jit3A_921 = arith.constant 1073741824 : i32
    %broadcast_in_dim3A_922 = vector.broadcast %jit3A_921 : i32 to vector<512x1024xi32>
    %select_n3A_923 = arith.select %eq3A_920, %iota3A, %broadcast_in_dim3A_922 : vector<512x1024xi1>, vector<512x1024xi32>
    %reduce_min3A_924 = arith.constant dense<2147483647> : vector<512xi32>
    %reduce_min3A_925 = vector.multi_reduction <minsi>, %select_n3A_923, %reduce_min3A_924 [1] : vector<512x1024xi32> to vector<512xi32>
    %broadcast_in_dim3A_926 = vector.shape_cast %reduce_min3A_925 : vector<512xi32> to vector<512x1xi32>
    %eq3A_927 = vector.broadcast %broadcast_in_dim3A_926 : vector<512x1xi32> to vector<512x1024xi32>
    %eq3A_928 = arith.cmpi eq, %iota3A, %eq3A_927 : vector<512x1024xi32>
    %jit3A_929 = arith.constant 0xFF800000 : f32
    %broadcast_in_dim3A_930 = vector.broadcast %jit3A_929 : f32 to vector<512x1024xf32>
    %select_n3A_931 = arith.select %eq3A_928, %broadcast_in_dim3A_930, %select_n3A_915 : vector<512x1024xi1>, vector<512x1024xf32>
    %reduce_max3A_932 = arith.constant dense<0xFF800000> : vector<512xf32>
    %reduce_max3A_933 = vector.multi_reduction <maximumf>, %select_n3A_931, %reduce_max3A_932 [1] : vector<512x1024xf32> to vector<512xf32>
    %broadcast_in_dim3A_934 = vector.shape_cast %reduce_max3A_933 : vector<512xf32> to vector<512x1xf32>
    %eq3A_935 = vector.broadcast %broadcast_in_dim3A_934 : vector<512x1xf32> to vector<512x1024xf32>
    %eq3A_936 = arith.cmpf oeq, %select_n3A_931, %eq3A_935 : vector<512x1024xf32>
    %jit3A_937 = arith.constant 1073741824 : i32
    %broadcast_in_dim3A_938 = vector.broadcast %jit3A_937 : i32 to vector<512x1024xi32>
    %select_n3A_939 = arith.select %eq3A_936, %iota3A, %broadcast_in_dim3A_938 : vector<512x1024xi1>, vector<512x1024xi32>
    %reduce_min3A_940 = arith.constant dense<2147483647> : vector<512xi32>
    %reduce_min3A_941 = vector.multi_reduction <minsi>, %select_n3A_939, %reduce_min3A_940 [1] : vector<512x1024xi32> to vector<512xi32>
    %broadcast_in_dim3A_942 = vector.shape_cast %reduce_min3A_941 : vector<512xi32> to vector<512x1xi32>
    %eq3A_943 = vector.broadcast %broadcast_in_dim3A_942 : vector<512x1xi32> to vector<512x1024xi32>
    %eq3A_944 = arith.cmpi eq, %iota3A, %eq3A_943 : vector<512x1024xi32>
    %jit3A_945 = arith.constant 0xFF800000 : f32
    %broadcast_in_dim3A_946 = vector.broadcast %jit3A_945 : f32 to vector<512x1024xf32>
    %select_n3A_947 = arith.select %eq3A_944, %broadcast_in_dim3A_946, %select_n3A_931 : vector<512x1024xi1>, vector<512x1024xf32>
    %reduce_max3A_948 = arith.constant dense<0xFF800000> : vector<512xf32>
    %reduce_max3A_949 = vector.multi_reduction <maximumf>, %select_n3A_947, %reduce_max3A_948 [1] : vector<512x1024xf32> to vector<512xf32>
    %broadcast_in_dim3A_950 = vector.shape_cast %reduce_max3A_949 : vector<512xf32> to vector<512x1xf32>
    %eq3A_951 = vector.broadcast %broadcast_in_dim3A_950 : vector<512x1xf32> to vector<512x1024xf32>
    %eq3A_952 = arith.cmpf oeq, %select_n3A_947, %eq3A_951 : vector<512x1024xf32>
    %jit3A_953 = arith.constant 1073741824 : i32
    %broadcast_in_dim3A_954 = vector.broadcast %jit3A_953 : i32 to vector<512x1024xi32>
    %select_n3A_955 = arith.select %eq3A_952, %iota3A, %broadcast_in_dim3A_954 : vector<512x1024xi1>, vector<512x1024xi32>
    %reduce_min3A_956 = arith.constant dense<2147483647> : vector<512xi32>
    %reduce_min3A_957 = vector.multi_reduction <minsi>, %select_n3A_955, %reduce_min3A_956 [1] : vector<512x1024xi32> to vector<512xi32>
    %broadcast_in_dim3A_958 = vector.shape_cast %reduce_min3A_957 : vector<512xi32> to vector<512x1xi32>
    %add3A_959 = arith.constant 9216 : i32
    %add3A_960 = vector.broadcast %add3A_959 : i32 to vector<512x1xi32>
    %add3A_961 = arith.addi %broadcast_in_dim3A_926, %add3A_960 : vector<512x1xi32>
    %add3A_962 = arith.constant 9216 : i32
    %add3A_963 = vector.broadcast %add3A_962 : i32 to vector<512x1xi32>
    %add3A_964 = arith.addi %broadcast_in_dim3A_942, %add3A_963 : vector<512x1xi32>
    %add3A_965 = arith.constant 9216 : i32
    %add3A_966 = vector.broadcast %add3A_965 : i32 to vector<512x1xi32>
    %add3A_967 = arith.addi %broadcast_in_dim3A_958, %add3A_966 : vector<512x1xi32>
    %broadcast_in_dim3A_968 = arith.constant 0xFF800000 : f32
    %broadcast_in_dim3A_969 = vector.broadcast %broadcast_in_dim3A_968 : f32 to vector<512x1xf32>
    %broadcast_in_dim3A_970 = arith.constant 1073741824 : i32
    %broadcast_in_dim3A_971 = vector.broadcast %broadcast_in_dim3A_970 : i32 to vector<512x1xi32>
    %concatenate3A_972 = tpu.concatenate %broadcast_in_dim3A_865, %broadcast_in_dim3A_881, %broadcast_in_dim3A_897, %broadcast_in_dim3A_918, %broadcast_in_dim3A_934, %broadcast_in_dim3A_950, %broadcast_in_dim3A_969, %broadcast_in_dim3A_969 in 1 : vector<512x1xf32>, vector<512x1xf32>, vector<512x1xf32>, vector<512x1xf32>, vector<512x1xf32>, vector<512x1xf32>, vector<512x1xf32>, vector<512x1xf32> -> vector<512x8xf32>
    %concatenate3A_973 = tpu.concatenate %broadcast_in_dim3A_873, %broadcast_in_dim3A_889, %broadcast_in_dim3A_905, %add3A_961, %add3A_964, %add3A_967, %broadcast_in_dim3A_971, %broadcast_in_dim3A_971 in 1 : vector<512x1xi32>, vector<512x1xi32>, vector<512x1xi32>, vector<512x1xi32>, vector<512x1xi32>, vector<512x1xi32>, vector<512x1xi32>, vector<512x1xi32> -> vector<512x8xi32>
    %reduce_max3A_974 = arith.constant dense<0xFF800000> : vector<512xf32>
    %reduce_max3A_975 = vector.multi_reduction <maximumf>, %concatenate3A_972, %reduce_max3A_974 [1] : vector<512x8xf32> to vector<512xf32>
    %broadcast_in_dim3A_976 = vector.shape_cast %reduce_max3A_975 : vector<512xf32> to vector<512x1xf32>
    %eq3A_977 = vector.broadcast %broadcast_in_dim3A_976 : vector<512x1xf32> to vector<512x8xf32>
    %eq3A_978 = arith.cmpf oeq, %concatenate3A_972, %eq3A_977 : vector<512x8xf32>
    %jit3A_979 = arith.constant 1073741824 : i32
    %broadcast_in_dim3A_980 = vector.broadcast %jit3A_979 : i32 to vector<512x8xi32>
    %select_n3A_981 = arith.select %eq3A_978, %concatenate3A_973, %broadcast_in_dim3A_980 : vector<512x8xi1>, vector<512x8xi32>
    %reduce_min3A_982 = arith.constant dense<2147483647> : vector<512xi32>
    %reduce_min3A_983 = vector.multi_reduction <minsi>, %select_n3A_981, %reduce_min3A_982 [1] : vector<512x8xi32> to vector<512xi32>
    %broadcast_in_dim3A_984 = vector.shape_cast %reduce_min3A_983 : vector<512xi32> to vector<512x1xi32>
    %eq3A_985 = vector.broadcast %broadcast_in_dim3A_984 : vector<512x1xi32> to vector<512x8xi32>
    %eq3A_986 = arith.cmpi eq, %concatenate3A_973, %eq3A_985 : vector<512x8xi32>
    %jit3A_987 = arith.constant 0xFF800000 : f32
    %broadcast_in_dim3A_988 = vector.broadcast %jit3A_987 : f32 to vector<512x8xf32>
    %select_n3A_989 = arith.select %eq3A_986, %broadcast_in_dim3A_988, %concatenate3A_972 : vector<512x8xi1>, vector<512x8xf32>
    %reduce_max3A_990 = arith.constant dense<0xFF800000> : vector<512xf32>
    %reduce_max3A_991 = vector.multi_reduction <maximumf>, %select_n3A_989, %reduce_max3A_990 [1] : vector<512x8xf32> to vector<512xf32>
    %broadcast_in_dim3A_992 = vector.shape_cast %reduce_max3A_991 : vector<512xf32> to vector<512x1xf32>
    %eq3A_993 = vector.broadcast %broadcast_in_dim3A_992 : vector<512x1xf32> to vector<512x8xf32>
    %eq3A_994 = arith.cmpf oeq, %select_n3A_989, %eq3A_993 : vector<512x8xf32>
    %jit3A_995 = arith.constant 1073741824 : i32
    %broadcast_in_dim3A_996 = vector.broadcast %jit3A_995 : i32 to vector<512x8xi32>
    %select_n3A_997 = arith.select %eq3A_994, %concatenate3A_973, %broadcast_in_dim3A_996 : vector<512x8xi1>, vector<512x8xi32>
    %reduce_min3A_998 = arith.constant dense<2147483647> : vector<512xi32>
    %reduce_min3A_999 = vector.multi_reduction <minsi>, %select_n3A_997, %reduce_min3A_998 [1] : vector<512x8xi32> to vector<512xi32>
    %broadcast_in_dim3A_1000 = vector.shape_cast %reduce_min3A_999 : vector<512xi32> to vector<512x1xi32>
    %eq3A_1001 = vector.broadcast %broadcast_in_dim3A_1000 : vector<512x1xi32> to vector<512x8xi32>
    %eq3A_1002 = arith.cmpi eq, %concatenate3A_973, %eq3A_1001 : vector<512x8xi32>
    %jit3A_1003 = arith.constant 0xFF800000 : f32
    %broadcast_in_dim3A_1004 = vector.broadcast %jit3A_1003 : f32 to vector<512x8xf32>
    %select_n3A_1005 = arith.select %eq3A_1002, %broadcast_in_dim3A_1004, %select_n3A_989 : vector<512x8xi1>, vector<512x8xf32>
    %reduce_max3A_1006 = arith.constant dense<0xFF800000> : vector<512xf32>
    %reduce_max3A_1007 = vector.multi_reduction <maximumf>, %select_n3A_1005, %reduce_max3A_1006 [1] : vector<512x8xf32> to vector<512xf32>
    %broadcast_in_dim3A_1008 = vector.shape_cast %reduce_max3A_1007 : vector<512xf32> to vector<512x1xf32>
    %eq3A_1009 = vector.broadcast %broadcast_in_dim3A_1008 : vector<512x1xf32> to vector<512x8xf32>
    %eq3A_1010 = arith.cmpf oeq, %select_n3A_1005, %eq3A_1009 : vector<512x8xf32>
    %jit3A_1011 = arith.constant 1073741824 : i32
    %broadcast_in_dim3A_1012 = vector.broadcast %jit3A_1011 : i32 to vector<512x8xi32>
    %select_n3A_1013 = arith.select %eq3A_1010, %concatenate3A_973, %broadcast_in_dim3A_1012 : vector<512x8xi1>, vector<512x8xi32>
    %reduce_min3A_1014 = arith.constant dense<2147483647> : vector<512xi32>
    %reduce_min3A_1015 = vector.multi_reduction <minsi>, %select_n3A_1013, %reduce_min3A_1014 [1] : vector<512x8xi32> to vector<512xi32>
    %broadcast_in_dim3A_1016 = vector.shape_cast %reduce_min3A_1015 : vector<512xi32> to vector<512x1xi32>
    %broadcast_in_dim3A_1017 = arith.constant 0 : i32
    %broadcast_in_dim3A_1018 = vector.broadcast %broadcast_in_dim3A_1017 : i32 to vector<512x1xi32>
    %concatenate3A_1019 = tpu.concatenate %broadcast_in_dim3A_984, %broadcast_in_dim3A_1000, %broadcast_in_dim3A_1016, %broadcast_in_dim3A_1018, %broadcast_in_dim3A_1018, %broadcast_in_dim3A_1018, %broadcast_in_dim3A_1018, %broadcast_in_dim3A_1018 in 1 : vector<512x1xi32>, vector<512x1xi32>, vector<512x1xi32>, vector<512x1xi32>, vector<512x1xi32>, vector<512x1xi32>, vector<512x1xi32>, vector<512x1xi32> -> vector<512x8xi32>
    %swap3A = arith.constant 0 : index
    %swap3A_1020 = arith.constant 0 : index
    %swap3A_1021 = vector.load %arg3[%swap3A, %swap3A_1020] : memref<512x8xi32, #tpu.memory_space<vmem>>, vector<512x8xi32>
    tpu.vector_store %arg3[%swap3A, %swap3A_1020], %concatenate3A_1019 {strides = array<i32>} : memref<512x8xi32, #tpu.memory_space<vmem>>, vector<512x8xi32>,
    return
  }
  func.func @transform_0(%arg0: i32) -> (i32, i32) {
    %c0_i32 = arith.constant 0 : i32
    %c0_i32_0 = arith.constant 0 : i32
    %c0_i32_1 = arith.constant 0 : i32
    return %c0_i32, %c0_i32_0 : i32, i32
  }
  func.func @transform_1(%arg0: i32) -> (i32, i32) {
    %c0_i32 = arith.constant 0 : i32
    %c0_i32_0 = arith.constant 0 : i32
    return %arg0, %c0_i32 : i32, i32
  }
  func.func @transform_2(%arg0: i32) -> (i32, i32) {
    %c0_i32 = arith.constant 0 : i32
    %c0_i32_0 = arith.constant 0 : i32
    return %arg0, %c0_i32 : i32, i32
  }
}

</mosaic_0001>

<sc_bundles>
// kernel: kernel.5.cloned.1.call-start
scs
__scs_entry_jumppad:
0x0: {  	(pc) =	sbr.rel $0x88, $3  }
0x1: {  	(tag) =	ssettag $0x0;
	lr =	simm.s32 $0x1  }
0x2: {  	[smem:$0x3F9D] =	sst lr;
	_ =	strace $0xD0000000  }
0x3: {  	_ = 	snop  }
0x4: {  	_ = 	snop  }
0x5: {  	_ = 	snop  }
0x6: {  	_ = 	snop  }
0x7: {  	_ = 	snop  }
__scs_overlays_trampoline_lowered:
0x8: {  	[smem:$0x3FAC] =	sst s0  }
0x9: {  	[smem:$0x3FAD] =	sst s1  }
0xa: {  	[smem:$0x3FAE] =	sst s2  }
0xb: {  	[smem:$0x3FAF] =	sst s3  }
0xc: {  	[smem:$0x3FB0] =	sst s4  }
0xd: {  	[smem:$0x3FB1] =	sst s5  }
0xe: {  	[smem:$0x3FB2] =	sst s6  }
0xf: {  	[smem:$0x3FB3] =	sst s7  }
0x10: {  	[smem:$0x3FB4] =	sst s8  }
0x11: {  	[smem:$0x3FB5] =	sst s9;
	s0 =	simm.s32 @!p0 $0x0  }
0x12: {  	s1 =	sld [smem:$0x3F9B];
	s0 =	simm.s32 @p0 $0x1  }
0x13: {  	[smem:$0x3FB6] =	sst s0;
	s0 =	simm.s32 @!p1 $0x0  }
0x14: {  	s2 =	sld [smem:$0x3F9A];
	s0 =	simm.s32 @p1 $0x1  }
0x15: {  	[smem:$0x3FB7] =	sst s0;
	s0 =	simm.s32 @!p2 $0x0  }
0x16: {  	s3 =	sld [smem:$0x3FDB];
	s0 =	simm.s32 @p2 $0x1  }
0x17: {  	s4 =	simm.s32 $0x1BF5;
	[smem:$0x3FB9] =	sst s0  }
0x18: {  	s0 =	sld [smem:$0x3F9C];
	_ =	swait.ge [sflag:s4], $0x0  }
0x19: {  	s7 =	sld [smem:$0x3F9D]  }
0x1a: {  	s8 =	sadd.s32 $0xFFFFE003, lr  }
0x1b: {  	s9 =	sadd.s32 $0xFFFFFEF7, lr;
	s5 =	simm.s32 $0xFFFFFFFF;
	p2 =	slt.u32 s8, $0xFFFFF086  }
0x1c: {  	p1 =	slt.u32 s9, $0xF7A;
	s5 =	simm.s32 @!p2 $0x0  }
0x1d: {  	s5 =	simm.s32 @p1 $0x1;
	p0 =	seq.s32 s7, s2  }
0x1e: {  	s7 =	smul.u32 @!p0 $0xF7A, s2;
	p2 =	seq.s32 @!p0 s5, $0x0  }
0x1f: {  	s9 =	smul.u32 $0xF7A, s1;
	s8 =	simm.s32 @!p0 $0x1BF5;
	p2 =	por !p2, p0  }
0x20: {  	[sflag:s8] =	ssyncset.s32 @!p0 $0xFFFFF086;
	s6 =	sadd.s32 @!p0 s3, s7;
	s7 =	simm.s32 @!p0 $0x108  }
0x21: {  	s3 =	sadd.s32 s3, s9;
	s6 =	sadd.s32 @!p0 $0x88, s6;
	s7 =	simm.s32 @p2 $0x1082  }
0x22: {  	[simem:s7], [sflag:s8] =	dma.local @!p0 [hbm:s6], $0xF7A  }
0x23: {  	s9 =	sor.u32 $0xD0000000, s2;
	s6 =	simm.s32 $0x108;
	_ =	swait.ge @!p0 [sflag:s8], $0x0  }
0x24: {  	s3 =	sadd.s32 $0x88, s3;
	s6 =	simm.s32 @!p1 $0x1082;
	[sflag:s4] =	ssyncset.s32 $0xFFFFF086  }
0x25: {  	[simem:s6], [sflag:s4] =	dma.local [hbm:s3], $0xF7A  }
0x26: {  	[smem:$0x3F9D] =	sst s1;
	(tag) =	ssettag s2;
	_ =	strace s9  }
0x27: {  	s1 =	sld [smem:$0x3FAD]  }
0x28: {  	s2 =	sld [smem:$0x3FAE]  }
0x29: {  	s4 =	sld [smem:$0x3FB0]  }
0x2a: {  	p0 =	seq.s32 s5, $0x0;
	s5 =	sld [smem:$0x3FB1]  }
0x2b: {  	s6 =	sld [smem:$0x3FB2]  }
0x2c: {  	s7 =	sld [smem:$0x3FB3]  }
0x2d: {  	s3 =	simm.s32 $0x108;
	s8 =	sld [smem:$0x3FB4]  }
0x2e: {  	s3 =	simm.s32 @!p0 $0x1082;
	s9 =	sld [smem:$0x3FB5]  }
0x2f: {  	lr =	sadd.s32 s0, s3;
	s0 =	sld [smem:$0x3FAC]  }
0x30: {  	s3 =	sld [smem:$0x3FAF]  }
0x31: {  	[smem:$0x3FB8] =	sst s10  }
0x32: {  	s10 =	sld [smem:$0x3FB6];
	_ =	sdelay $0x3  }
0x33: {  	p0 =	seq.s32 s10, $0x1;
	s10 =	sld [smem:$0x3FB8];
	_ =	sdelay $0x3  }
0x34: {  	[smem:$0x3FB8] =	sst s10  }
0x35: {  	s10 =	sld [smem:$0x3FB7];
	_ =	sdelay $0x3  }
0x36: {  	p1 =	seq.s32 s10, $0x1;
	s10 =	sld [smem:$0x3FB8];
	_ =	sdelay $0x3  }
0x37: {  	[smem:$0x3FB8] =	sst s10  }
0x38: {  	s10 =	sld [smem:$0x3FB9]  }
0x39: {  	_ = 	snop;
	(pc) =	sbr.ind lr, $3  }
0x3a: {  	_ = 	snop  }
0x3b: {  	_ = 	snop  }
0x3c: {  	p2 =	seq.s32 s10, $0x1;
	s10 =	sld [smem:$0x3FB8]  }
0x3d: {  	_ =	shalt  }
0x3e: {  	_ =	shalt  }
0x3f: {  	_ =	shalt  }
0x40: {  	_ =	shalt  }
0x41: {  	_ =	shalt  }
0x42: {  	_ =	shalt  }
0x43: {  	_ =	shalt  }
0x44: {  	_ =	shalt  }
0x45: {  	_ =	shalt  }
0x46: {  	_ =	shalt  }
0x47: {  	_ =	shalt  }
0x48: {  	_ =	shalt  }
0x49: {  	_ =	shalt  }
0x4a: {  	_ =	shalt  }
0x4b: {  	_ =	shalt  }
0x4c: {  	_ =	shalt  }
0x4d: {  	_ =	shalt  }
0x4e: {  	_ =	shalt  }
0x4f: {  	_ =	shalt  }
0x50: {  	_ =	shalt  }
0x51: {  	_ =	shalt  }
0x52: {  	_ =	shalt  }
0x53: {  	_ =	shalt  }
0x54: {  	_ =	shalt  }
0x55: {  	_ =	shalt  }
0x56: {  	_ =	shalt  }
0x57: {  	_ =	shalt  }
0x58: {  	_ =	shalt  }
0x59: {  	_ =	shalt  }
0x5a: {  	_ =	shalt  }
0x5b: {  	_ =	shalt  }
0x5c: {  	_ =	shalt  }
0x5d: {  	_ =	shalt  }
0x5e: {  	_ =	shalt  }
0x5f: {  	_ =	shalt  }
0x60: {  	_ =	shalt  }
0x61: {  	_ =	shalt  }
0x62: {  	_ =	shalt  }
0x63: {  	_ =	shalt  }
0x64: {  	_ =	shalt  }
0x65: {  	_ =	shalt  }
0x66: {  	_ =	shalt  }
0x67: {  	_ =	shalt  }
0x68: {  	_ =	shalt  }
0x69: {  	_ =	shalt  }
0x6a: {  	_ =	shalt  }
0x6b: {  	_ =	shalt  }
0x6c: {  	_ =	shalt  }
0x6d: {  	_ =	shalt  }
0x6e: {  	_ =	shalt  }
0x6f: {  	_ =	shalt  }
0x70: {  	_ =	shalt  }
0x71: {  	_ =	shalt  }
0x72: {  	_ =	shalt  }
0x73: {  	_ =	shalt  }
0x74: {  	_ =	shalt  }
0x75: {  	_ =	shalt  }
0x76: {  	_ =	shalt  }
0x77: {  	_ =	shalt  }
0x78: {  	_ =	shalt  }
0x79: {  	_ =	shalt  }
0x7a: {  	_ =	shalt  }
0x7b: {  	_ =	shalt  }
0x7c: {  	_ =	shalt  }
0x7d: {  	_ =	shalt  }
0x7e: {  	_ =	shalt  }
0x7f: {  	_ =	shalt  }
0x80: {  	_ =	shalt  }
0x81: {  	_ =	shalt  }
0x82: {  	_ =	shalt  }
0x83: {  	_ =	shalt  }
0x84: {  	_ =	shalt  }
0x85: {  	_ =	shalt  }
0x86: {  	_ =	shalt  }
0x87: {  	_ =	shalt  }
.Lfunc_end0:
.L_simem_size_0:
called_computation_lowered:
.L_overlay_start_0:
0x88: {  	s2 =	sld [smem:$0x3FD9]  }
0x89: {  	s3 =	sld [smem:$0x3FFE];
	_ =	sdelay $0x1  }
0x8a: {  	s1 =	srdreg.scid  }
0x8b: {  	s0 =	sand.u32 $0x1, s1  }
0x8c: {  	s17 =	sshll.u32 s0, $0xA;
	s2 =	sadd.s32 s3, s2  }
0x8d: {  	s2 =	sadd.s32 s2, s17  }
0x8e: {  	[smem:$0x3FC4] =	sst s2  }
0x8f: {  	_ = 	snop  }
0x90: {  	s2 =	sld [smem:$0x3FC9]  }
0x91: {  	s18 =	sld [smem:$0x3FD0];
	(tm) =	ssettm $0x1  }
0x92: {  	s4 =	sld [smem:$0x3FFB];
	_ =	sdelay $0x3  }
0x93: {  	_ =	strace s4  }
0x94: {  	s4 =	sld [smem:$0x3FFC];
	_ =	sdelay $0x3  }
0x95: {  	_ =	strace s4  }
0x96: {  	s4 =	sld [smem:$0x3FFD];
	_ =	sdelay $0x3  }
0x97: {  	_ =	strace s4  }
0x98: {  	_ =	strace $0x8FFFFFFF  }
0x99: {  	s19 =	sld [smem:$0x3FDB];
	_ =	sdelay $0x1  }
0x9a: {  	s5 =	simm.s32 $_scs_section_size  }
0x9b: {  	s6 =	simm.s32 $_size__tile_overlayer_lowered;
	s7 =	simm.s32 $_tile_overlayer_lowered  }
0x9c: {  	s22 =	simm.s32 $0x1BFF;
	s21 =	sshll.u32 s7, $0x1;
	s4 =	sadd.s32 s5, s19  }
0x9d: {  	s8 =	simm.s32 $0x0;
	s20 =	sshll.u32 s6, $0x1;
	s6 =	sadd.s32 s21, s4  }
0x9e: {  	[timem:s8], [sflag:s22] =	dma.local [hbm:s6], s20  }
0x9f: {  	_ =	swait.ge [sflag:s22], s20  }
0xa0: {  	s5 =	ssub.s32 $0x0, s20;
	[sflag:s22] =	ssyncset.done $0x0  }
0xa1: {  	[sflag:s22] =	ssyncadd.s32 s5;
	_ =	sdelay $0x1  }
0xa2: {  	s23 =	simm.s32 $0x1B8B  }
0xa3: {  	_ =	swait.ge [sflag:s23], $0x1  }
0xa4: {  	[sflag:s23] =	ssyncset.done $0x0  }
0xa5: {  	s25 =	simm.s32 $0x1B8E;
	s24 =	sld [smem:$0x3FFE];
	[sflag:s23] =	ssyncadd.s32 $0xFFFFFFFF  }
0xa6: {  	s26 =	simm.s32 $execute0_lowered;
	[smem:$0x3FD2] =	sst s25  }
0xa7: {  	s6 =	sshll.u32 s26, $0x1;
	_ =	strace $0x80000046;
	[dreg:$0x1] =	wrdreg $0xFFFFFFFF  }
0xa8: {  	s28 =	simm.s32 $_size_execute0_lowered;
	s4 =	sadd.s32 s4, s6;
	[dreg:$0x0] =	wrdreg $0x0  }
0xa9: {  	s6 =	sshll.u32 s28, $0x1;
	[dreg:$0x2] =	wrdreg s4  }
0xaa: {  	[dreg:$0x3] =	wrdreg s6  }
0xab: {  	[dreg:$0x4] =	wrdreg $0xC0  }
0xac: {  	_ =	task [dreg:s8], $0x5FFFF  }
0xad: {  	[dreg:$0x1] =	wrdreg $0xFFFFFFFF  }
0xae: {  	[dreg:$0x0] =	wrdreg $0x60  }
0xaf: {  	[dreg:$0x2] =	wrdreg s2  }
0xb0: {  	[dreg:$0x3] =	wrdreg s24  }
0xb1: {  	[dreg:$0x4] =	wrdreg s18  }
0xb2: {  	[dreg:$0x5] =	wrdreg $0x9  }
0xb3: {  	_ =	task.clear_ibuf [dreg:s8], $0x6FFFF;
	_ =	strace $0x90000046  }
0xb4: {  	s29 =	simm.s32 $0x9;
	_ =	strace $0x80000048  }
0xb5: {  	_ =	swait.ge [sflag:s29], $0x1  }
0xb6: {  	[sflag:s29] =	ssyncadd.s32 $0xFFFFFFFF  }
0xb7: {  	_ =	strace $0x90000048  }
0xb8: {  	_ =	sfence  }
0xb9: {  	s30 =	sld [smem:$0x0];
	_ =	sdelay $0x2  }
0xba: {  	s31 =	sshll.u32 s1, $0xD;
	s1 =	sshrl.u32 s1, $0x2  }
0xbb: {  	s3 =	sand.u32 $0x4000, s31;
	s1 =	sadd.s32 s1, s30  }
0xbc: {  	s0 =	sor.u32 s3, s0;
	s1 =	sshll.u32 s1, $0x11  }
0xbd: {  	s0 =	sor.u32 s1, s0  }
0xbe: {  	s0 =	sadd.s32 $0x8F2B, s0  }
0xbf: {  	[sflag:s0] =	ssyncadd.remote.s32 $0x1  }
0xc0: {  	_ =	sfence.sel $0xFFFF  }
0xc1: {  	[dreg:$0x0] =	wrdreg $0xFFFFFFFF;
	(pc) =	sbr.abs _section_cstart, $3  }
0xc2: {  	[dreg:$0x1] =	wrdreg $0xFFFFFFFF  }
0xc3: {  	_ =	task.clear_ibuf [dreg:s8], $0x2FFFF;
	_ =	strace $0x9FFFFFFF  }
0xc4: {  	(tm) =	ssettm $0x7FFFFFFF  }
0xc5: {  	_ =	shalt  }
tec
execute0_lowered:
.L_overlay_start_1:
0x0: {  	(tag) =	ssettag $0x1  }
0x1: {  	s1 =	rddreg [dreg:$0x0]  }
0x2: {  	s2 =	srdreg.scid;
	s5 =	rddreg [dreg:$0x1]  }
0x3: {  	s0 =	stileid.u32;
	s7 =	rddreg [dreg:$0x2]  }
0x4: {  	s3 =	simm.s32 $0x0;
	s11 =	simm.s32 $0x3;
	s12 =	simm.s32 $0x1  }
0x5: {  	s13 =	simm.s32 $0x180;
	s14 =	simm.s32 $0x300;
	s15 =	simm.s32 $0x140  }
0x6: {  	s16 =	simm.s32 $0x480;
	s17 =	simm.s32 $0xA480;
	s18 =	simm.s32 $0x14480  }
0x7: {  	s19 =	simm.s32 $0x2;
	s4 =	sand.u32 $0x1, s2;
	s30 =	sshll.u32 s0, $0x1  }
0x8: {  	s20 =	simm.s32 $0x0;
	s2 =	rddreg [dreg:$0x3];
	s6 =	sor.u32 s4, s30  }
0x9: {  	[smem:$0x7FF] =	sst s3;
	s9 =	ssub.s32 $0x2, s4;
	s8 =	smul.u32 $0x1400, s6  }
0xa: {  	_ =	strace $0x80000047;
	s10 =	smul.u32 $0x28, s6;
	s31 =	sshrl.u32 s9, $0x1  }
0xb: {  	s4 =	sadd.s32 $0xC00, s5;
	s9 =	ssub.s32 s9, s31;
	s8 =	sadd.s32 s8, s5  }
0xc: {  	s5 =	sadd.s32 s5, s10;
	s7 =	sadd.s32 s7, s10;
	s9 =	smax.u32 s9, $0x1  }
0xd: {  	s10 =	simm.s32 $0x1E480;
	s6 =	sadd.s32 $0x600, s5;
	s8 =	sadd.s32 $0xE00, s8  }
.LBB2_1:
0xe: {  	[tilespmem:s10], [sflag:$0x3] =	stream.linear.gather [hbm4b:s4+s3], $0x200, $0x38;
	[tilespmem:$0x1E680] =	vst v63  }
0xf: {  	_ =	swait.ge [sflag:s11], $0x200  }
0x10: {  	[sflag:s11] =	ssyncset.done $0x0  }
0x11: {  	[sflag:s11] =	ssyncadd.s32 $0xFFFFFE00  }
0x12: {  	[tilespmem:s3], [sflag:$0x1] =	stream.linear.gather [hbm4b:s6+s3], $0x140, $0x38;
	[tilespmem:$0x1E680] =	vst v63  }
0x13: {  	_ =	swait.ge [sflag:s12], $0x140  }
0x14: {  	[sflag:s12] =	ssyncset.done $0x0  }
0x15: {  	[sflag:s12] =	ssyncadd.s32 $0xFFFFFEC0  }
0x16: {  	[tilespmem:s13], [sflag:$0x1] =	stream.linear.gather [hbm4b:s5+s3], $0x140, $0x38;
	[tilespmem:$0x1E680] =	vst v63  }
0x17: {  	_ =	swait.ge [sflag:s12], $0x140  }
0x18: {  	[sflag:s12] =	ssyncset.done $0x0  }
0x19: {  	[sflag:s12] =	ssyncadd.s32 $0xFFFFFEC0  }
0x1a: {  	[tilespmem:s14], [sflag:$0x1] =	stream.linear.gather [hbm4b:s7+s3], $0x140, $0x38;
	[tilespmem:$0x1E680] =	vst v63  }
0x1b: {  	_ =	swait.ge [sflag:s12], $0x140  }
0x1c: {  	[sflag:s12] =	ssyncset.done $0x0  }
0x1d: {  	[sflag:s12] =	ssyncadd.s32 $0xFFFFFEC0  }
0x1e: {  	[tilespmem:s16], [sflag:$0x2] =	stream.indirect.gather [hbm4b:s1+s15], $0x80, s3, s15, $0xb8;
	[tilespmem:$0x1E680] =	vst v63  }
0x1f: {  	_ = 	snop  }
0x20: {  	[tilespmem:s17], [sflag:$0x2] =	stream.indirect.gather [hbm4b:s1+s15], $0x80, s13, s15, $0xb8;
	[tilespmem:$0x1E680] =	vst v63  }
0x21: {  	_ = 	snop  }
0x22: {  	[tilespmem:s18], [sflag:$0x2] =	stream.indirect.gather [hbm4b:s1+s15], $0x80, s14, s15, $0xb8;
	[tilespmem:$0x1E680] =	vst v63  }
0x23: {  	_ =	swait.ge [sflag:s19], $0xA000  }
0x24: {  	[sflag:s19] =	ssyncset.done $0x0  }
0x25: {  	[sflag:s19] =	ssyncadd.s32 $0xFFFF6000  }
0x26: {  	_ =	swait.ge [sflag:s19], $0xA000  }
0x27: {  	[sflag:s19] =	ssyncset.done $0x0  }
0x28: {  	[sflag:s19] =	ssyncadd.s32 $0xFFFF6000  }
0x29: {  	_ =	swait.ge [sflag:s19], $0xA000  }
0x2a: {  	[sflag:s19] =	ssyncset.done $0x0  }
0x2b: {  	[sflag:s19] =	ssyncadd.s32 $0xFFFF6000  }
0x2c: {  	v2 =	vld [tilespmem:$0x1E480]  }
0x2d: {  	v3 =	vld [tilespmem:$0x1E500]  }
0x2e: {  	v1 =	vld [tilespmem:$0x1E580]  }
0x2f: {  	s21 =	simm.s32 $0x0;
	v0 =	vld [tilespmem:$0x1E600]  }
0x30: {  	v4 =	vld [tilespmem:s21+$0x14480]  }
0x31: {  	v5 =	vld [tilespmem:s21+$0x14490]  }
0x32: {  	v6 =	vld [tilespmem:s21+$0x144A0]  }
0x33: {  	v10 =	vld [tilespmem:s21+$0x144B0]  }
0x34: {  	v11 =	vld [tilespmem:s21+$0x144C0]  }
0x35: {  	v12 =	vld [tilespmem:s21+$0x144D0]  }
0x36: {  	v13 =	vld [tilespmem:s21+$0xA480]  }
0x37: {  	v14 =	vld [tilespmem:s21+$0xA490]  }
0x38: {  	v15 =	vld [tilespmem:s21+$0xA4A0]  }
0x39: {  	v17 =	vld [tilespmem:s21+$0xA4B0]  }
0x3a: {  	v21 =	vld [tilespmem:s21+$0xA4C0]  }
0x3b: {  	v18 =	vld [tilespmem:s21+$0x480]  }
0x3c: {  	v19 =	vld [tilespmem:s21+$0x490]  }
0x3d: {  	v20 =	vld [tilespmem:s21+$0x4A0];
	v9 =	vmul.f32 v4, v1;
	v8 =	vmul.f32 v5, v1  }
0x3e: {  	v22 =	vld [tilespmem:s21+$0x4B0];
	v7 =	vmul.f32 v6, v1;
	v6 =	vmul.f32 v10, v1  }
0x3f: {  	v23 =	vld [tilespmem:s21+$0xA4D0];
	v5 =	vmul.f32 v11, v1;
	v4 =	vmul.f32 v12, v1  }
0x40: {  	v16 =	vld [tilespmem:s21+$0xA4E0];
	v10 =	vmul.f32 v13, v3;
	v11 =	vmul.f32 v14, v3  }
0x41: {  	v12 =	vmul.f32 v18, v2;
	v18 =	vmul.f32 v15, v3;
	v15 =	vld [tilespmem:s21+$0xA4F0]  }
0x42: {  	v14 =	vmul.f32 v19, v2;
	v17 =	vmul.f32 v17, v3;
	v13 =	vld [tilespmem:s21+$0x4C0]  }
0x43: {  	v20 =	vmul.f32 v20, v2;
	v22 =	vmul.f32 v22, v2;
	v19 =	vadd.f32 v10, v12;
	v12 =	vld [tilespmem:s21+$0x4D0]  }
0x44: {  	s22 =	simm.s32 $0x200;
	v10 =	vmul.f32 v21, v3;
	v21 =	vadd.f32 v11, v14;
	v11 =	vmul.f32 v23, v3;
	v14 =	vld [tilespmem:s21+$0x4E0]  }
.LBB2_2:
0x45: {  	p0 =	sne.s32 s22, $0x27E00;
	v9 =	vadd.f32 v9, v19;
	v18 =	vadd.f32 v18, v20;
	v16 =	vmul.f32 v16, v3;
	v19 =	vld [tilespmem:s21+$0x4F0]  }
0x46: {  	v8 =	vadd.f32 v8, v21;
	v17 =	vadd.f32 v17, v22;
	v20 =	vld [tilespmem:s21+$0x144E0];
	v15 =	vmul.f32 v15, v3  }
0x47: {  	s23 =	sshra.s32 s22, $0x2;
	v9 =	vadd.f32 v9, v0;
	v7 =	vadd.f32 v7, v18;
	v13 =	vmul.f32 v13, v2;
	v18 =	vld [tilespmem:s21+$0x144F0]  }
0x48: {  	v21 =	vld [tilespmem:s23+$0x14480];
	v8 =	vadd.f32 v8, v0;
	v6 =	vadd.f32 v6, v17;
	v12 =	vmul.f32 v12, v2  }
0x49: {  	v17 =	vld [tilespmem:s23+$0x14490];
	v7 =	vadd.f32 v7, v0;
	v10 =	vadd.f32 v10, v13;
	v13 =	vmul.f32 v14, v2  }
0x4a: {  	v14 =	vld [tilespmem:s23+$0x144A0];
	v6 =	vadd.f32 v6, v0;
	v11 =	vadd.f32 v11, v12;
	v12 =	vmul.f32 v19, v2  }
0x4b: {  	v19 =	vld [tilespmem:s23+$0x144B0];
	[tilespmem:s21+$0x480] =	vst v9;
	v5 =	vadd.f32 v5, v10;
	v9 =	vadd.f32 v16, v13;
	v10 =	vmul.f32 v20, v1  }
0x4c: {  	v13 =	vld [tilespmem:s23+$0x144C0];
	[tilespmem:s21+$0x490] =	vst v8;
	v4 =	vadd.f32 v4, v11;
	v8 =	vadd.f32 v15, v12;
	v11 =	vmul.f32 v18, v1  }
0x4d: {  	v12 =	vld [tilespmem:s23+$0x144D0];
	[tilespmem:s21+$0x4A0] =	vst v7;
	v5 =	vadd.f32 v5, v0;
	v7 =	vadd.f32 v10, v9  }
0x4e: {  	v10 =	vld [tilespmem:s23+$0xA480];
	[tilespmem:s21+$0x4B0] =	vst v6;
	v4 =	vadd.f32 v4, v0;
	v6 =	vadd.f32 v11, v8  }
0x4f: {  	v11 =	vld [tilespmem:s23+$0xA490];
	[tilespmem:s21+$0x4C0] =	vst v5;
	v5 =	vadd.f32 v7, v0  }
0x50: {  	v15 =	vld [tilespmem:s23+$0xA4A0];
	[tilespmem:s21+$0x4D0] =	vst v4;
	v4 =	vadd.f32 v6, v0  }
0x51: {  	v20 =	vld [tilespmem:s23+$0xA4B0];
	[tilespmem:s21+$0x4E0] =	vst v5  }
0x52: {  	v22 =	vld [tilespmem:s23+$0xA4C0];
	[tilespmem:s21+$0x4F0] =	vst v4;
	s21 =	smov.u32 s23  }
0x53: {  	v23 =	vld [tilespmem:s21+$0xA4D0]  }
0x54: {  	v18 =	vld [tilespmem:s21+$0x480]  }
0x55: {  	v9 =	vmul.f32 v21, v1;
	v8 =	vmul.f32 v17, v1;
	v21 =	vld [tilespmem:s21+$0x490]  }
0x56: {  	v7 =	vmul.f32 v14, v1;
	v6 =	vmul.f32 v19, v1;
	v24 =	vld [tilespmem:s21+$0x4A0]  }
0x57: {  	v5 =	vmul.f32 v13, v1;
	v4 =	vmul.f32 v12, v1;
	v14 =	vld [tilespmem:s21+$0x4B0]  }
.Ltmp0:
0x58: {  	v10 =	vmul.f32 v10, v3;
	v11 =	vmul.f32 v11, v3;
	v16 =	vld [tilespmem:s21+$0xA4E0];
	(pc) =	sbr.rel @p0 .LBB2_2-.Ltmp0, $4  }
0x59: {  	v12 =	vmul.f32 v18, v2;
	v18 =	vmul.f32 v15, v3;
	v15 =	vld [tilespmem:s21+$0xA4F0]  }
0x5a: {  	v17 =	vmul.f32 v20, v3;
	v21 =	vmul.f32 v21, v2;
	v13 =	vld [tilespmem:s21+$0x4C0]  }
0x5b: {  	v19 =	vadd.f32 v10, v12;
	v20 =	vmul.f32 v24, v2;
	v10 =	vmul.f32 v22, v3;
	v12 =	vld [tilespmem:s21+$0x4D0]  }
0x5c: {  	s22 =	sadd.s32 $0x200, s22;
	v21 =	vadd.f32 v11, v21;
	v22 =	vmul.f32 v14, v2;
	v11 =	vmul.f32 v23, v3;
	v14 =	vld [tilespmem:s21+$0x4E0]  }
0x5d: {  	v9 =	vadd.f32 v9, v19;
	v18 =	vadd.f32 v18, v20;
	v16 =	vmul.f32 v16, v3;
	v51 =	vld [tilespmem:s21+$0x4F0]  }
0x5e: {  	v52 =	vld [tilespmem:s21+$0x144E0];
	v8 =	vadd.f32 v8, v21;
	v17 =	vadd.f32 v17, v22;
	v53 =	vmul.f32 v15, v3  }
0x5f: {  	v54 =	vld [tilespmem:s21+$0x144F0];
	v9 =	vadd.f32 v9, v0;
	v7 =	vadd.f32 v7, v18;
	v13 =	vmul.f32 v13, v2  }
0x60: {  	v8 =	vadd.f32 v8, v0;
	v6 =	vadd.f32 v6, v17;
	v12 =	vmul.f32 v12, v2  }
0x61: {  	v7 =	vadd.f32 v7, v0;
	v10 =	vadd.f32 v10, v13;
	v55 =	vmul.f32 v14, v2  }
0x62: {  	v6 =	vadd.f32 v6, v0;
	v11 =	vadd.f32 v11, v12;
	v56 =	vmul.f32 v51, v2  }
0x63: {  	[tilespmem:s21+$0x480] =	vst v9;
	v58 =	vmul.f32 v52, v1;
	v5 =	vadd.f32 v5, v10;
	v57 =	vadd.f32 v16, v55  }
0x64: {  	[tilespmem:s21+$0x490] =	vst v8;
	v59 =	vmul.f32 v54, v1;
	v4 =	vadd.f32 v4, v11;
	v2 =	vadd.f32 v53, v56  }
0x65: {  	[tilespmem:s21+$0x4A0] =	vst v7;
	v60 =	vadd.f32 v5, v0;
	v61 =	vadd.f32 v58, v57  }
0x66: {  	[tilespmem:s21+$0x4B0] =	vst v6;
	v4 =	vadd.f32 v4, v0;
	v1 =	vadd.f32 v59, v2  }
0x67: {  	[tilespmem:s21+$0x4C0] =	vst v60;
	v62 =	vadd.f32 v61, v0  }
0x68: {  	s20 =	sadd.s32 $0x1, s20;
	[tilespmem:s21+$0x4D0] =	vst v4;
	v63 =	vadd.f32 v1, v0  }
0x69: {  	p0 =	sne.s32 s20, s9;
	[tilespmem:s21+$0x4E0] =	vst v62  }
.Ltmp1:
0x6a: {  	[tilespmem:s21+$0x4F0] =	vst v63;
	(pc) =	sbr.rel @p0 .LBB2_1-.Ltmp1, $4  }
0x6b: {  	[hbm4b:s8+s3] =	stream.linear.scatter [tilespmem:s16], [sflag:$0x3], $0xA000, $0x38;
	[tilespmem:$0x1E680] =	vst v63  }
0x6c: {  	_ =	swait.ge [sflag:s11], $0xA000  }
0x6d: {  	[sflag:s11] =	ssyncset.done $0x0  }
0x6e: {  	[sflag:s11] =	ssyncadd.s32 $0xFFFF6000  }
0x6f: {  	_ =	sfence.sel $0x180000  }
0x70: {  	[bflag:$0x0] =	sbarrier.arrive $0xFFFF  }
0x71: {  	p0 =	sne.s32 s0, $0x0;
	_ =	strace $0x90000047  }
0x72: {  	s0 =	sadd.s32 @!p0 $0x100000, s2;
	[bflag:$0x2] =	sbarrier.arrive $0xFFFF  }
0x73: {  	[sflag:s0] =	ssyncadd.tile.s32 @!p0 $0x1;
	_ =	shalt  }
.Lfunc_end2:
_tile_overlayer_lowered:
.L_overlay_start_2:
0x74: {  	(tag) =	ssettag $0x2  }
0x75: {  	s0 =	rddreg [dreg:$0x0];
	s2 =	stileid.u32  }
0x76: {  	s1 =	rddreg [dreg:$0x1];
	p0 =	sne.s32 s2, $0x0  }
0x77: {  	s3 =	rddreg [dreg:$0x2];
	[bflag:$0x3] =	sbarrier.arrive $0xFFFF;
	s2 =	simm.s32 @!p0 $0x1C03  }
0x78: {  	[timem:s3], [sflag:s2] =	dma.local @!p0 [hbm:s0], s1  }
0x79: {  	s0 =	simm.s32 @!p0 $0x3  }
0x7a: {  	_ =	swait.ge @!p0 [sflag:s0], s1  }
0x7b: {  	s1 =	ssub.s32 @!p0 $0x0, s1;
	[sflag:s0] =	ssyncset.done @!p0 $0x0  }
0x7c: {  	[sflag:s0] =	ssyncadd.s32 @!p0 s1  }
0x7d: {  	[bflag:$0x3] =	sbarrier.arrive $0xFFFF  }
0x7e: {  	_ =	shalt  }

</sc_bundles>
